<compile_context>
chip_gen: v7x
topology: tpu7x:2x2x1
jax: 0.10.2.dev20260603
libtpu: 0.0.44.dev20260713+nightly
codegen_flags: <defaults>
</compile_context>

<pallas_src>
import functools

import jax
import jax.numpy as jnp
from jax import lax
from jax.experimental import pallas as pl
from jax.experimental.pallas import tpu as pltpu
from jax.experimental.pallas import tpu_sc as plsc

_LANES = 16


@functools.lru_cache(maxsize=None)
def _build(batch: int, seq_len: int, hidden: int):
    info = plsc.get_sparse_core_info()
    num_workers = info.num_cores * info.num_subcores
    p = seq_len // num_workers
    assert p * num_workers == seq_len
    assert p % 8 == 0 and p <= 128
    assert hidden % _LANES == 0

    mesh = plsc.VectorSubcoreMesh(core_axis_name="c", subcore_axis_name="s")

    @functools.partial(
        pl.kernel,
        out_type=jax.ShapeDtypeStruct((batch, seq_len, hidden), jnp.float32),
        mesh=mesh,
        scratch_types=[
            pltpu.VMEM((batch, p), jnp.int32),
            pltpu.VMEM((batch, p, hidden), jnp.float32),
            pltpu.SemaphoreType.DMA,
            pltpu.SemaphoreType.DMA,
            [pltpu.SemaphoreType.DMA for _ in range(batch)],
        ],
    )
    def emb_kernel(ids_hbm, table_hbm, pos_hbm, out_hbm,
                   idx_v, rows_v, sem_i, sem_p, sem_g):
        wid = lax.axis_index("s") * info.num_cores + lax.axis_index("c")
        lo = wid * p

        idx_cps = [
            pltpu.async_copy(ids_hbm.at[bb, pl.ds(lo, p)], idx_v.at[bb], sem_i)
            for bb in range(batch)
        ]
        cp_p = pltpu.async_copy(pos_hbm.at[pl.ds(lo, p)], rows_v.at[0], sem_p)
        cp_p.wait()

        def replicate(src_b, dst_b):
            def body(r, carry):
                for c in range(hidden // _LANES):
                    sl = pl.ds(c * _LANES, _LANES)
                    rows_v[dst_b, r, sl] = rows_v[src_b, r, sl]
                return carry
            lax.fori_loop(0, p, body, 0)

        gathers = []
        for b in range(batch):
            if b + 1 < batch:
                replicate(b, b + 1)
            if b == 0:
                for cp in idx_cps:
                    cp.wait()
            gathers.append(pltpu.async_copy(
                table_hbm.at[idx_v.at[b]],
                rows_v.at[b],
                sem_g[b],
                add=True,
            ))
        for g in gathers:
            g.wait()
        pltpu.sync_copy(rows_v, out_hbm.at[:, pl.ds(lo, p)])

    return emb_kernel


def kernel(input_ids, embedding, position_embedding):
    batch, seq_len = input_ids.shape
    hidden = embedding.shape[1]
    fn = _build(batch, seq_len, hidden)
    return fn(input_ids.astype(jnp.int32), embedding, position_embedding)

# --- scband reference (transcript-rebuilt; emitter-appended) ---
"""Pipeline reference for scband-input-embedding-layer-39178691674251 (READ-ONLY COPY).

The authoritative reference and input builder live on the scoring server;
editing this copy changes nothing except your own understanding.
"""

import jax, jax.numpy as jnp
import numpy as np

VOCAB_SIZE = 1000000
HIDDEN_SIZE = 128
MAX_LENGTH = 2048
BATCH = 4
SEQ_LEN = 2048

def setup_inputs(seed: int = 0) -> dict:
    key = jax.random.key(seed)
    k1, k2, k3 = jax.random.split(key, 3)
    input_ids = jax.random.randint(k1, (BATCH, SEQ_LEN), 0, VOCAB_SIZE, dtype=jnp.int64 if jax.config.jax_enable_x64 else jnp.int32)
    embedding = jax.random.normal(k2, (VOCAB_SIZE, HIDDEN_SIZE), dtype=jnp.float32)
    position_embedding = jax.random.normal(k3, (MAX_LENGTH, HIDDEN_SIZE), dtype=jnp.float32)
    return {"input_ids": input_ids, "embedding": embedding, "position_embedding": position_embedding}

def reference(input_ids, embedding, position_embedding):
    seq_len = input_ids.shape[1]
    tok_emb = jnp.take(embedding, input_ids, axis=0)
    pos_ids = jnp.arange(0, seq_len)
    pos_emb = jnp.take(position_embedding, pos_ids, axis=0)
    return tok_emb + pos_emb[None, :, :]

if __name__ == "__main__":
    import jax
    _d = setup_inputs()
    print(jax.jit(kernel)(*tuple(_d.values())))

</pallas_src>

<mosaic_0001>
#map = affine_map<(d0, d1) -> (0, 0)>
#map1 = affine_map<(d0, d1) -> (0, 0, 0)>
module attributes {stable_mosaic.version = 14 : i64} {
  func.func @emb_kernel(%arg0: i32, %arg1: i32, %arg2: memref<4x2048xi32, #tpu.memory_space<hbm>>, %arg3: memref<1000000x128xf32, #tpu.memory_space<hbm>>, %arg4: memref<2048x128xf32, #tpu.memory_space<hbm>>, %arg5: memref<4x2048x128xf32, #tpu.memory_space<hbm>>, %arg6: memref<4x64xi32, #tpu.memory_space<vmem>>, %arg7: memref<4x64x128xf32, #tpu.memory_space<vmem>>, %arg8: memref<!tpu.dma_semaphore, #tpu.memory_space<semaphore_mem>>, %arg9: memref<!tpu.dma_semaphore, #tpu.memory_space<semaphore_mem>>, %arg10: memref<!tpu.dma_semaphore, #tpu.memory_space<semaphore_mem>>, %arg11: memref<!tpu.dma_semaphore, #tpu.memory_space<semaphore_mem>>, %arg12: memref<!tpu.dma_semaphore, #tpu.memory_space<semaphore_mem>>, %arg13: memref<!tpu.dma_semaphore, #tpu.memory_space<semaphore_mem>>) attributes {dimension_semantics = [#tpu.dimension_semantics<core_parallel>, #tpu.dimension_semantics<subcore_parallel>], iteration_bounds = array<i64: 2, 16>, scalar_prefetch = 0 : i64, scratch_operands = 8 : i64, tpu.core_type = #tpu.core_type<sc_vector_subcore>, window_params = [{transform_indices = #map}, {transform_indices = #map}, {transform_indices = #map}, {transform_indices = #map1}]} {
    %mul3A = arith.constant 2 : i32
    %mul3A_0 = arith.muli %arg1, %mul3A : i32
    %add3A = arith.addi %mul3A_0, %arg0 : i32
    %mul3A_1 = arith.constant 64 : i32
    %mul3A_2 = arith.muli %add3A, %mul3A_1 : i32
    %dma_start3A = arith.constant 0 : i32
    %dma_start3A_3 = arith.constant 0 : i32
    %dma_start3A_4 = arith.constant 0 : i32
    %dma_start3A_5 = tpu.memref_slice %arg6[%dma_start3A_3, %dma_start3A_4] : memref<4x64xi32, #tpu.memory_space<vmem>> -> memref<1x64xi32, #tpu.memory_space<vmem>>
    %dma_start3A_6 = tpu.memref_squeeze %dma_start3A_5 : memref<1x64xi32, #tpu.memory_space<vmem>> -> memref<64xi32, #tpu.memory_space<vmem>>
    %dma_start3A_7 = tpu.memref_slice %arg2[%dma_start3A, %mul3A_2] : memref<4x2048xi32, #tpu.memory_space<hbm>> -> memref<1x64xi32, #tpu.memory_space<hbm>>
    %dma_start3A_8 = tpu.memref_squeeze %dma_start3A_7 : memref<1x64xi32, #tpu.memory_space<hbm>> -> memref<64xi32, #tpu.memory_space<hbm>>
    %dma_start3A_9 = arith.constant 0 : i32
    %dma_start3A_10 = tpu.memref_slice %arg6[%dma_start3A_3, %dma_start3A_9] : memref<4x64xi32, #tpu.memory_space<vmem>> -> memref<1x64xi32, #tpu.memory_space<vmem>>
    %dma_start3A_11 = tpu.memref_squeeze %dma_start3A_10 : memref<1x64xi32, #tpu.memory_space<vmem>> -> memref<64xi32, #tpu.memory_space<vmem>>
    %dma_start3A_12 = tpu.memref_slice %arg2[%dma_start3A, %mul3A_2] : memref<4x2048xi32, #tpu.memory_space<hbm>> -> memref<1x64xi32, #tpu.memory_space<hbm>>
    %dma_start3A_13 = tpu.memref_squeeze %dma_start3A_12 : memref<1x64xi32, #tpu.memory_space<hbm>> -> memref<64xi32, #tpu.memory_space<hbm>>
    tpu.enqueue_dma source(%dma_start3A_13 : memref<64xi32, #tpu.memory_space<hbm>>) target(%dma_start3A_11 : memref<64xi32, #tpu.memory_space<vmem>>) target_semaphore(%arg8 : memref<!tpu.dma_semaphore, #tpu.memory_space<semaphore_mem>>)
    %dma_start3A_14 = arith.constant 1 : i32
    %dma_start3A_15 = arith.constant 1 : i32
    %dma_start3A_16 = arith.constant 0 : i32
    %dma_start3A_17 = tpu.memref_slice %arg6[%dma_start3A_15, %dma_start3A_16] : memref<4x64xi32, #tpu.memory_space<vmem>> -> memref<1x64xi32, #tpu.memory_space<vmem>>
    %dma_start3A_18 = tpu.memref_squeeze %dma_start3A_17 : memref<1x64xi32, #tpu.memory_space<vmem>> -> memref<64xi32, #tpu.memory_space<vmem>>
    %dma_start3A_19 = tpu.memref_slice %arg2[%dma_start3A_14, %mul3A_2] : memref<4x2048xi32, #tpu.memory_space<hbm>> -> memref<1x64xi32, #tpu.memory_space<hbm>>
    %dma_start3A_20 = tpu.memref_squeeze %dma_start3A_19 : memref<1x64xi32, #tpu.memory_space<hbm>> -> memref<64xi32, #tpu.memory_space<hbm>>
    %dma_start3A_21 = arith.constant 0 : i32
    %dma_start3A_22 = tpu.memref_slice %arg6[%dma_start3A_15, %dma_start3A_21] : memref<4x64xi32, #tpu.memory_space<vmem>> -> memref<1x64xi32, #tpu.memory_space<vmem>>
    %dma_start3A_23 = tpu.memref_squeeze %dma_start3A_22 : memref<1x64xi32, #tpu.memory_space<vmem>> -> memref<64xi32, #tpu.memory_space<vmem>>
    %dma_start3A_24 = tpu.memref_slice %arg2[%dma_start3A_14, %mul3A_2] : memref<4x2048xi32, #tpu.memory_space<hbm>> -> memref<1x64xi32, #tpu.memory_space<hbm>>
    %dma_start3A_25 = tpu.memref_squeeze %dma_start3A_24 : memref<1x64xi32, #tpu.memory_space<hbm>> -> memref<64xi32, #tpu.memory_space<hbm>>
    tpu.enqueue_dma source(%dma_start3A_25 : memref<64xi32, #tpu.memory_space<hbm>>) target(%dma_start3A_23 : memref<64xi32, #tpu.memory_space<vmem>>) target_semaphore(%arg8 : memref<!tpu.dma_semaphore, #tpu.memory_space<semaphore_mem>>)
    %dma_start3A_26 = arith.constant 2 : i32
    %dma_start3A_27 = arith.constant 2 : i32
    %dma_start3A_28 = arith.constant 0 : i32
    %dma_start3A_29 = tpu.memref_slice %arg6[%dma_start3A_27, %dma_start3A_28] : memref<4x64xi32, #tpu.memory_space<vmem>> -> memref<1x64xi32, #tpu.memory_space<vmem>>
    %dma_start3A_30 = tpu.memref_squeeze %dma_start3A_29 : memref<1x64xi32, #tpu.memory_space<vmem>> -> memref<64xi32, #tpu.memory_space<vmem>>
    %dma_start3A_31 = tpu.memref_slice %arg2[%dma_start3A_26, %mul3A_2] : memref<4x2048xi32, #tpu.memory_space<hbm>> -> memref<1x64xi32, #tpu.memory_space<hbm>>
    %dma_start3A_32 = tpu.memref_squeeze %dma_start3A_31 : memref<1x64xi32, #tpu.memory_space<hbm>> -> memref<64xi32, #tpu.memory_space<hbm>>
    %dma_start3A_33 = arith.constant 0 : i32
    %dma_start3A_34 = tpu.memref_slice %arg6[%dma_start3A_27, %dma_start3A_33] : memref<4x64xi32, #tpu.memory_space<vmem>> -> memref<1x64xi32, #tpu.memory_space<vmem>>
    %dma_start3A_35 = tpu.memref_squeeze %dma_start3A_34 : memref<1x64xi32, #tpu.memory_space<vmem>> -> memref<64xi32, #tpu.memory_space<vmem>>
    %dma_start3A_36 = tpu.memref_slice %arg2[%dma_start3A_26, %mul3A_2] : memref<4x2048xi32, #tpu.memory_space<hbm>> -> memref<1x64xi32, #tpu.memory_space<hbm>>
    %dma_start3A_37 = tpu.memref_squeeze %dma_start3A_36 : memref<1x64xi32, #tpu.memory_space<hbm>> -> memref<64xi32, #tpu.memory_space<hbm>>
    tpu.enqueue_dma source(%dma_start3A_37 : memref<64xi32, #tpu.memory_space<hbm>>) target(%dma_start3A_35 : memref<64xi32, #tpu.memory_space<vmem>>) target_semaphore(%arg8 : memref<!tpu.dma_semaphore, #tpu.memory_space<semaphore_mem>>)
    %dma_start3A_38 = arith.constant 3 : i32
    %dma_start3A_39 = arith.constant 3 : i32
    %dma_start3A_40 = arith.constant 0 : i32
    %dma_start3A_41 = tpu.memref_slice %arg6[%dma_start3A_39, %dma_start3A_40] : memref<4x64xi32, #tpu.memory_space<vmem>> -> memref<1x64xi32, #tpu.memory_space<vmem>>
    %dma_start3A_42 = tpu.memref_squeeze %dma_start3A_41 : memref<1x64xi32, #tpu.memory_space<vmem>> -> memref<64xi32, #tpu.memory_space<vmem>>
    %dma_start3A_43 = tpu.memref_slice %arg2[%dma_start3A_38, %mul3A_2] : memref<4x2048xi32, #tpu.memory_space<hbm>> -> memref<1x64xi32, #tpu.memory_space<hbm>>
    %dma_start3A_44 = tpu.memref_squeeze %dma_start3A_43 : memref<1x64xi32, #tpu.memory_space<hbm>> -> memref<64xi32, #tpu.memory_space<hbm>>
    %dma_start3A_45 = arith.constant 0 : i32
    %dma_start3A_46 = tpu.memref_slice %arg6[%dma_start3A_39, %dma_start3A_45] : memref<4x64xi32, #tpu.memory_space<vmem>> -> memref<1x64xi32, #tpu.memory_space<vmem>>
    %dma_start3A_47 = tpu.memref_squeeze %dma_start3A_46 : memref<1x64xi32, #tpu.memory_space<vmem>> -> memref<64xi32, #tpu.memory_space<vmem>>
    %dma_start3A_48 = tpu.memref_slice %arg2[%dma_start3A_38, %mul3A_2] : memref<4x2048xi32, #tpu.memory_space<hbm>> -> memref<1x64xi32, #tpu.memory_space<hbm>>
    %dma_start3A_49 = tpu.memref_squeeze %dma_start3A_48 : memref<1x64xi32, #tpu.memory_space<hbm>> -> memref<64xi32, #tpu.memory_space<hbm>>
    tpu.enqueue_dma source(%dma_start3A_49 : memref<64xi32, #tpu.memory_space<hbm>>) target(%dma_start3A_47 : memref<64xi32, #tpu.memory_space<vmem>>) target_semaphore(%arg8 : memref<!tpu.dma_semaphore, #tpu.memory_space<semaphore_mem>>)
    %dma_start3A_50 = arith.constant 0 : i32
    %dma_start3A_51 = arith.constant 0 : i32
    %dma_start3A_52 = arith.constant 0 : i32
    %dma_start3A_53 = tpu.memref_slice %arg7[%dma_start3A_50, %dma_start3A_51, %dma_start3A_52] : memref<4x64x128xf32, #tpu.memory_space<vmem>> -> memref<1x64x128xf32, #tpu.memory_space<vmem>>
    %dma_start3A_54 = tpu.memref_squeeze %dma_start3A_53 : memref<1x64x128xf32, #tpu.memory_space<vmem>> -> memref<64x128xf32, #tpu.memory_space<vmem>>
    %dma_start3A_55 = arith.constant 0 : i32
    %dma_start3A_56 = tpu.memref_slice %arg4[%mul3A_2, %dma_start3A_55] : memref<2048x128xf32, #tpu.memory_space<hbm>> -> memref<64x128xf32, #tpu.memory_space<hbm>>
    %dma_start3A_57 = arith.constant 0 : i32
    %dma_start3A_58 = arith.constant 0 : i32
    %dma_start3A_59 = tpu.memref_slice %arg7[%dma_start3A_50, %dma_start3A_57, %dma_start3A_58] : memref<4x64x128xf32, #tpu.memory_space<vmem>> -> memref<1x64x128xf32, #tpu.memory_space<vmem>>
    %dma_start3A_60 = tpu.memref_squeeze %dma_start3A_59 : memref<1x64x128xf32, #tpu.memory_space<vmem>> -> memref<64x128xf32, #tpu.memory_space<vmem>>
    %dma_start3A_61 = arith.constant 0 : i32
    %dma_start3A_62 = tpu.memref_slice %arg4[%mul3A_2, %dma_start3A_61] : memref<2048x128xf32, #tpu.memory_space<hbm>> -> memref<64x128xf32, #tpu.memory_space<hbm>>
    tpu.enqueue_dma source(%dma_start3A_62 : memref<64x128xf32, #tpu.memory_space<hbm>>) target(%dma_start3A_60 : memref<64x128xf32, #tpu.memory_space<vmem>>) target_semaphore(%arg9 : memref<!tpu.dma_semaphore, #tpu.memory_space<semaphore_mem>>)
    %dma_wait3A = arith.constant 0 : i32
    %dma_wait3A_63 = arith.constant 0 : i32
    %dma_wait3A_64 = arith.constant 0 : i32
    %dma_wait3A_65 = tpu.memref_slice %arg7[%dma_wait3A, %dma_wait3A_63, %dma_wait3A_64] : memref<4x64x128xf32, #tpu.memory_space<vmem>> -> memref<1x64x128xf32, #tpu.memory_space<vmem>>
    %dma_wait3A_66 = tpu.memref_squeeze %dma_wait3A_65 : memref<1x64x128xf32, #tpu.memory_space<vmem>> -> memref<64x128xf32, #tpu.memory_space<vmem>>
    %dma_wait3A_67 = arith.constant 0 : i32
    %dma_wait3A_68 = tpu.memref_slice %arg4[%mul3A_2, %dma_wait3A_67] : memref<2048x128xf32, #tpu.memory_space<hbm>> -> memref<64x128xf32, #tpu.memory_space<hbm>>
    %dma_wait3A_69 = arith.constant 0 : i32
    %dma_wait3A_70 = arith.constant 0 : i32
    %dma_wait3A_71 = tpu.memref_slice %arg7[%dma_wait3A, %dma_wait3A_69, %dma_wait3A_70] : memref<4x64x128xf32, #tpu.memory_space<vmem>> -> memref<1x64x128xf32, #tpu.memory_space<vmem>>
    %dma_wait3A_72 = tpu.memref_squeeze %dma_wait3A_71 : memref<1x64x128xf32, #tpu.memory_space<vmem>> -> memref<64x128xf32, #tpu.memory_space<vmem>>
    %dma_wait3A_73 = arith.constant 0 : i32
    %dma_wait3A_74 = tpu.memref_slice %arg4[%mul3A_2, %dma_wait3A_73] : memref<2048x128xf32, #tpu.memory_space<hbm>> -> memref<64x128xf32, #tpu.memory_space<hbm>>
    tpu.wait_dma2 semaphore(%arg9 : memref<!tpu.dma_semaphore, #tpu.memory_space<semaphore_mem>>) src(%dma_wait3A_74 : memref<64x128xf32, #tpu.memory_space<hbm>>) dst(%dma_wait3A_72 : memref<64x128xf32, #tpu.memory_space<vmem>>)
    %scan3A = arith.constant 0 : i32
    %scan3A_75 = arith.constant 0 : i32
    %scan3A_76 = arith.constant 64 : i32
    %scan3A_77 = arith.addi %scan3A_75, %scan3A_76 : i32
    %scan3A_78 = arith.constant 1 : i32
    scf.for %scan3A_236 = %scan3A_75 to %scan3A_77 step %scan3A_78  : i32 {
      %get3A = arith.constant 0 : i32
      %get3A_237 = arith.index_cast %get3A : i32 to index
      %get3A_238 = arith.index_cast %scan3A_236 : i32 to index
      %get3A_239 = arith.constant 0 : index
      %get3A_240 = tpu.vector_load %arg7[%get3A_237, %get3A_238, %get3A_239] {strides = array<i32>} : memref<4x64x128xf32, #tpu.memory_space<vmem>>, vector<1x1x16xf32>,
      %get3A_241 = vector.shape_cast %get3A_240 : vector<1x1x16xf32> to vector<16xf32>
      %swap3A = arith.constant 1 : i32
      %swap3A_242 = arith.index_cast %swap3A : i32 to index
      %swap3A_243 = arith.index_cast %scan3A_236 : i32 to index
      %swap3A_244 = arith.constant 0 : index
      %swap3A_245 = tpu.vector_load %arg7[%swap3A_242, %swap3A_243, %swap3A_244] {strides = array<i32>} : memref<4x64x128xf32, #tpu.memory_space<vmem>>, vector<1x1x16xf32>,
      %swap3A_246 = vector.shape_cast %swap3A_245 : vector<1x1x16xf32> to vector<16xf32>
      %swap3A_247 = vector.shape_cast %get3A_241 : vector<16xf32> to vector<1x1x16xf32>
      tpu.vector_store %arg7[%swap3A_242, %swap3A_243, %swap3A_244], %swap3A_247 {strides = array<i32>} : memref<4x64x128xf32, #tpu.memory_space<vmem>>, vector<1x1x16xf32>,
      %get3A_248 = arith.constant 0 : i32
      %get3A_249 = arith.index_cast %get3A_248 : i32 to index
      %get3A_250 = arith.index_cast %scan3A_236 : i32 to index
      %get3A_251 = arith.constant 16 : index
      %get3A_252 = tpu.vector_load %arg7[%get3A_249, %get3A_250, %get3A_251] {strides = array<i32>} : memref<4x64x128xf32, #tpu.memory_space<vmem>>, vector<1x1x16xf32>,
      %get3A_253 = vector.shape_cast %get3A_252 : vector<1x1x16xf32> to vector<16xf32>
      %swap3A_254 = arith.constant 1 : i32
      %swap3A_255 = arith.index_cast %swap3A_254 : i32 to index
      %swap3A_256 = arith.index_cast %scan3A_236 : i32 to index
      %swap3A_257 = arith.constant 16 : index
      %swap3A_258 = tpu.vector_load %arg7[%swap3A_255, %swap3A_256, %swap3A_257] {strides = array<i32>} : memref<4x64x128xf32, #tpu.memory_space<vmem>>, vector<1x1x16xf32>,
      %swap3A_259 = vector.shape_cast %swap3A_258 : vector<1x1x16xf32> to vector<16xf32>
      %swap3A_260 = vector.shape_cast %get3A_253 : vector<16xf32> to vector<1x1x16xf32>
      tpu.vector_store %arg7[%swap3A_255, %swap3A_256, %swap3A_257], %swap3A_260 {strides = array<i32>} : memref<4x64x128xf32, #tpu.memory_space<vmem>>, vector<1x1x16xf32>,
      %get3A_261 = arith.constant 0 : i32
      %get3A_262 = arith.index_cast %get3A_261 : i32 to index
      %get3A_263 = arith.index_cast %scan3A_236 : i32 to index
      %get3A_264 = arith.constant 32 : index
      %get3A_265 = tpu.vector_load %arg7[%get3A_262, %get3A_263, %get3A_264] {strides = array<i32>} : memref<4x64x128xf32, #tpu.memory_space<vmem>>, vector<1x1x16xf32>,
      %get3A_266 = vector.shape_cast %get3A_265 : vector<1x1x16xf32> to vector<16xf32>
      %swap3A_267 = arith.constant 1 : i32
      %swap3A_268 = arith.index_cast %swap3A_267 : i32 to index
      %swap3A_269 = arith.index_cast %scan3A_236 : i32 to index
      %swap3A_270 = arith.constant 32 : index
      %swap3A_271 = tpu.vector_load %arg7[%swap3A_268, %swap3A_269, %swap3A_270] {strides = array<i32>} : memref<4x64x128xf32, #tpu.memory_space<vmem>>, vector<1x1x16xf32>,
      %swap3A_272 = vector.shape_cast %swap3A_271 : vector<1x1x16xf32> to vector<16xf32>
      %swap3A_273 = vector.shape_cast %get3A_266 : vector<16xf32> to vector<1x1x16xf32>
      tpu.vector_store %arg7[%swap3A_268, %swap3A_269, %swap3A_270], %swap3A_273 {strides = array<i32>} : memref<4x64x128xf32, #tpu.memory_space<vmem>>, vector<1x1x16xf32>,
      %get3A_274 = arith.constant 0 : i32
      %get3A_275 = arith.index_cast %get3A_274 : i32 to index
      %get3A_276 = arith.index_cast %scan3A_236 : i32 to index
      %get3A_277 = arith.constant 48 : index
      %get3A_278 = tpu.vector_load %arg7[%get3A_275, %get3A_276, %get3A_277] {strides = array<i32>} : memref<4x64x128xf32, #tpu.memory_space<vmem>>, vector<1x1x16xf32>,
      %get3A_279 = vector.shape_cast %get3A_278 : vector<1x1x16xf32> to vector<16xf32>
      %swap3A_280 = arith.constant 1 : i32
      %swap3A_281 = arith.index_cast %swap3A_280 : i32 to index
      %swap3A_282 = arith.index_cast %scan3A_236 : i32 to index
      %swap3A_283 = arith.constant 48 : index
      %swap3A_284 = tpu.vector_load %arg7[%swap3A_281, %swap3A_282, %swap3A_283] {strides = array<i32>} : memref<4x64x128xf32, #tpu.memory_space<vmem>>, vector<1x1x16xf32>,
      %swap3A_285 = vector.shape_cast %swap3A_284 : vector<1x1x16xf32> to vector<16xf32>
      %swap3A_286 = vector.shape_cast %get3A_279 : vector<16xf32> to vector<1x1x16xf32>
      tpu.vector_store %arg7[%swap3A_281, %swap3A_282, %swap3A_283], %swap3A_286 {strides = array<i32>} : memref<4x64x128xf32, #tpu.memory_space<vmem>>, vector<1x1x16xf32>,
      %get3A_287 = arith.constant 0 : i32
      %get3A_288 = arith.index_cast %get3A_287 : i32 to index
      %get3A_289 = arith.index_cast %scan3A_236 : i32 to index
      %get3A_290 = arith.constant 64 : index
      %get3A_291 = tpu.vector_load %arg7[%get3A_288, %get3A_289, %get3A_290] {strides = array<i32>} : memref<4x64x128xf32, #tpu.memory_space<vmem>>, vector<1x1x16xf32>,
      %get3A_292 = vector.shape_cast %get3A_291 : vector<1x1x16xf32> to vector<16xf32>
      %swap3A_293 = arith.constant 1 : i32
      %swap3A_294 = arith.index_cast %swap3A_293 : i32 to index
      %swap3A_295 = arith.index_cast %scan3A_236 : i32 to index
      %swap3A_296 = arith.constant 64 : index
      %swap3A_297 = tpu.vector_load %arg7[%swap3A_294, %swap3A_295, %swap3A_296] {strides = array<i32>} : memref<4x64x128xf32, #tpu.memory_space<vmem>>, vector<1x1x16xf32>,
      %swap3A_298 = vector.shape_cast %swap3A_297 : vector<1x1x16xf32> to vector<16xf32>
      %swap3A_299 = vector.shape_cast %get3A_292 : vector<16xf32> to vector<1x1x16xf32>
      tpu.vector_store %arg7[%swap3A_294, %swap3A_295, %swap3A_296], %swap3A_299 {strides = array<i32>} : memref<4x64x128xf32, #tpu.memory_space<vmem>>, vector<1x1x16xf32>,
      %get3A_300 = arith.constant 0 : i32
      %get3A_301 = arith.index_cast %get3A_300 : i32 to index
      %get3A_302 = arith.index_cast %scan3A_236 : i32 to index
      %get3A_303 = arith.constant 80 : index
      %get3A_304 = tpu.vector_load %arg7[%get3A_301, %get3A_302, %get3A_303] {strides = array<i32>} : memref<4x64x128xf32, #tpu.memory_space<vmem>>, vector<1x1x16xf32>,
      %get3A_305 = vector.shape_cast %get3A_304 : vector<1x1x16xf32> to vector<16xf32>
      %swap3A_306 = arith.constant 1 : i32
      %swap3A_307 = arith.index_cast %swap3A_306 : i32 to index
      %swap3A_308 = arith.index_cast %scan3A_236 : i32 to index
      %swap3A_309 = arith.constant 80 : index
      %swap3A_310 = tpu.vector_load %arg7[%swap3A_307, %swap3A_308, %swap3A_309] {strides = array<i32>} : memref<4x64x128xf32, #tpu.memory_space<vmem>>, vector<1x1x16xf32>,
      %swap3A_311 = vector.shape_cast %swap3A_310 : vector<1x1x16xf32> to vector<16xf32>
      %swap3A_312 = vector.shape_cast %get3A_305 : vector<16xf32> to vector<1x1x16xf32>
      tpu.vector_store %arg7[%swap3A_307, %swap3A_308, %swap3A_309], %swap3A_312 {strides = array<i32>} : memref<4x64x128xf32, #tpu.memory_space<vmem>>, vector<1x1x16xf32>,
      %get3A_313 = arith.constant 0 : i32
      %get3A_314 = arith.index_cast %get3A_313 : i32 to index
      %get3A_315 = arith.index_cast %scan3A_236 : i32 to index
      %get3A_316 = arith.constant 96 : index
      %get3A_317 = tpu.vector_load %arg7[%get3A_314, %get3A_315, %get3A_316] {strides = array<i32>} : memref<4x64x128xf32, #tpu.memory_space<vmem>>, vector<1x1x16xf32>,
      %get3A_318 = vector.shape_cast %get3A_317 : vector<1x1x16xf32> to vector<16xf32>
      %swap3A_319 = arith.constant 1 : i32
      %swap3A_320 = arith.index_cast %swap3A_319 : i32 to index
      %swap3A_321 = arith.index_cast %scan3A_236 : i32 to index
      %swap3A_322 = arith.constant 96 : index
      %swap3A_323 = tpu.vector_load %arg7[%swap3A_320, %swap3A_321, %swap3A_322] {strides = array<i32>} : memref<4x64x128xf32, #tpu.memory_space<vmem>>, vector<1x1x16xf32>,
      %swap3A_324 = vector.shape_cast %swap3A_323 : vector<1x1x16xf32> to vector<16xf32>
      %swap3A_325 = vector.shape_cast %get3A_318 : vector<16xf32> to vector<1x1x16xf32>
      tpu.vector_store %arg7[%swap3A_320, %swap3A_321, %swap3A_322], %swap3A_325 {strides = array<i32>} : memref<4x64x128xf32, #tpu.memory_space<vmem>>, vector<1x1x16xf32>,
      %get3A_326 = arith.constant 0 : i32
      %get3A_327 = arith.index_cast %get3A_326 : i32 to index
      %get3A_328 = arith.index_cast %scan3A_236 : i32 to index
      %get3A_329 = arith.constant 112 : index
      %get3A_330 = tpu.vector_load %arg7[%get3A_327, %get3A_328, %get3A_329] {strides = array<i32>} : memref<4x64x128xf32, #tpu.memory_space<vmem>>, vector<1x1x16xf32>,
      %get3A_331 = vector.shape_cast %get3A_330 : vector<1x1x16xf32> to vector<16xf32>
      %swap3A_332 = arith.constant 1 : i32
      %swap3A_333 = arith.index_cast %swap3A_332 : i32 to index
      %swap3A_334 = arith.index_cast %scan3A_236 : i32 to index
      %swap3A_335 = arith.constant 112 : index
      %swap3A_336 = tpu.vector_load %arg7[%swap3A_333, %swap3A_334, %swap3A_335] {strides = array<i32>} : memref<4x64x128xf32, #tpu.memory_space<vmem>>, vector<1x1x16xf32>,
      %swap3A_337 = vector.shape_cast %swap3A_336 : vector<1x1x16xf32> to vector<16xf32>
      %swap3A_338 = vector.shape_cast %get3A_331 : vector<16xf32> to vector<1x1x16xf32>
      tpu.vector_store %arg7[%swap3A_333, %swap3A_334, %swap3A_335], %swap3A_338 {strides = array<i32>} : memref<4x64x128xf32, #tpu.memory_space<vmem>>, vector<1x1x16xf32>,
    }
    %scan3A_79 = arith.constant 64 : i32
    %dma_wait3A_80 = arith.constant 0 : i32
    %dma_wait3A_81 = arith.constant 0 : i32
    %dma_wait3A_82 = arith.constant 0 : i32
    %dma_wait3A_83 = tpu.memref_slice %arg6[%dma_wait3A_81, %dma_wait3A_82] : memref<4x64xi32, #tpu.memory_space<vmem>> -> memref<1x64xi32, #tpu.memory_space<vmem>>
    %dma_wait3A_84 = tpu.memref_squeeze %dma_wait3A_83 : memref<1x64xi32, #tpu.memory_space<vmem>> -> memref<64xi32, #tpu.memory_space<vmem>>
    %dma_wait3A_85 = tpu.memref_slice %arg2[%dma_wait3A_80, %mul3A_2] : memref<4x2048xi32, #tpu.memory_space<hbm>> -> memref<1x64xi32, #tpu.memory_space<hbm>>
    %dma_wait3A_86 = tpu.memref_squeeze %dma_wait3A_85 : memref<1x64xi32, #tpu.memory_space<hbm>> -> memref<64xi32, #tpu.memory_space<hbm>>
    %dma_wait3A_87 = arith.constant 0 : i32
    %dma_wait3A_88 = tpu.memref_slice %arg6[%dma_wait3A_81, %dma_wait3A_87] : memref<4x64xi32, #tpu.memory_space<vmem>> -> memref<1x64xi32, #tpu.memory_space<vmem>>
    %dma_wait3A_89 = tpu.memref_squeeze %dma_wait3A_88 : memref<1x64xi32, #tpu.memory_space<vmem>> -> memref<64xi32, #tpu.memory_space<vmem>>
    %dma_wait3A_90 = tpu.memref_slice %arg2[%dma_wait3A_80, %mul3A_2] : memref<4x2048xi32, #tpu.memory_space<hbm>> -> memref<1x64xi32, #tpu.memory_space<hbm>>
    %dma_wait3A_91 = tpu.memref_squeeze %dma_wait3A_90 : memref<1x64xi32, #tpu.memory_space<hbm>> -> memref<64xi32, #tpu.memory_space<hbm>>
    tpu.wait_dma2 semaphore(%arg8 : memref<!tpu.dma_semaphore, #tpu.memory_space<semaphore_mem>>) src(%dma_wait3A_91 : memref<64xi32, #tpu.memory_space<hbm>>) dst(%dma_wait3A_89 : memref<64xi32, #tpu.memory_space<vmem>>)
    %dma_wait3A_92 = arith.constant 1 : i32
    %dma_wait3A_93 = arith.constant 1 : i32
    %dma_wait3A_94 = arith.constant 0 : i32
    %dma_wait3A_95 = tpu.memref_slice %arg6[%dma_wait3A_93, %dma_wait3A_94] : memref<4x64xi32, #tpu.memory_space<vmem>> -> memref<1x64xi32, #tpu.memory_space<vmem>>
    %dma_wait3A_96 = tpu.memref_squeeze %dma_wait3A_95 : memref<1x64xi32, #tpu.memory_space<vmem>> -> memref<64xi32, #tpu.memory_space<vmem>>
    %dma_wait3A_97 = tpu.memref_slice %arg2[%dma_wait3A_92, %mul3A_2] : memref<4x2048xi32, #tpu.memory_space<hbm>> -> memref<1x64xi32, #tpu.memory_space<hbm>>
    %dma_wait3A_98 = tpu.memref_squeeze %dma_wait3A_97 : memref<1x64xi32, #tpu.memory_space<hbm>> -> memref<64xi32, #tpu.memory_space<hbm>>
    %dma_wait3A_99 = arith.constant 0 : i32
    %dma_wait3A_100 = tpu.memref_slice %arg6[%dma_wait3A_93, %dma_wait3A_99] : memref<4x64xi32, #tpu.memory_space<vmem>> -> memref<1x64xi32, #tpu.memory_space<vmem>>
    %dma_wait3A_101 = tpu.memref_squeeze %dma_wait3A_100 : memref<1x64xi32, #tpu.memory_space<vmem>> -> memref<64xi32, #tpu.memory_space<vmem>>
    %dma_wait3A_102 = tpu.memref_slice %arg2[%dma_wait3A_92, %mul3A_2] : memref<4x2048xi32, #tpu.memory_space<hbm>> -> memref<1x64xi32, #tpu.memory_space<hbm>>
    %dma_wait3A_103 = tpu.memref_squeeze %dma_wait3A_102 : memref<1x64xi32, #tpu.memory_space<hbm>> -> memref<64xi32, #tpu.memory_space<hbm>>
    tpu.wait_dma2 semaphore(%arg8 : memref<!tpu.dma_semaphore, #tpu.memory_space<semaphore_mem>>) src(%dma_wait3A_103 : memref<64xi32, #tpu.memory_space<hbm>>) dst(%dma_wait3A_101 : memref<64xi32, #tpu.memory_space<vmem>>)
    %dma_wait3A_104 = arith.constant 2 : i32
    %dma_wait3A_105 = arith.constant 2 : i32
    %dma_wait3A_106 = arith.constant 0 : i32
    %dma_wait3A_107 = tpu.memref_slice %arg6[%dma_wait3A_105, %dma_wait3A_106] : memref<4x64xi32, #tpu.memory_space<vmem>> -> memref<1x64xi32, #tpu.memory_space<vmem>>
    %dma_wait3A_108 = tpu.memref_squeeze %dma_wait3A_107 : memref<1x64xi32, #tpu.memory_space<vmem>> -> memref<64xi32, #tpu.memory_space<vmem>>
    %dma_wait3A_109 = tpu.memref_slice %arg2[%dma_wait3A_104, %mul3A_2] : memref<4x2048xi32, #tpu.memory_space<hbm>> -> memref<1x64xi32, #tpu.memory_space<hbm>>
    %dma_wait3A_110 = tpu.memref_squeeze %dma_wait3A_109 : memref<1x64xi32, #tpu.memory_space<hbm>> -> memref<64xi32, #tpu.memory_space<hbm>>
    %dma_wait3A_111 = arith.constant 0 : i32
    %dma_wait3A_112 = tpu.memref_slice %arg6[%dma_wait3A_105, %dma_wait3A_111] : memref<4x64xi32, #tpu.memory_space<vmem>> -> memref<1x64xi32, #tpu.memory_space<vmem>>
    %dma_wait3A_113 = tpu.memref_squeeze %dma_wait3A_112 : memref<1x64xi32, #tpu.memory_space<vmem>> -> memref<64xi32, #tpu.memory_space<vmem>>
    %dma_wait3A_114 = tpu.memref_slice %arg2[%dma_wait3A_104, %mul3A_2] : memref<4x2048xi32, #tpu.memory_space<hbm>> -> memref<1x64xi32, #tpu.memory_space<hbm>>
    %dma_wait3A_115 = tpu.memref_squeeze %dma_wait3A_114 : memref<1x64xi32, #tpu.memory_space<hbm>> -> memref<64xi32, #tpu.memory_space<hbm>>
    tpu.wait_dma2 semaphore(%arg8 : memref<!tpu.dma_semaphore, #tpu.memory_space<semaphore_mem>>) src(%dma_wait3A_115 : memref<64xi32, #tpu.memory_space<hbm>>) dst(%dma_wait3A_113 : memref<64xi32, #tpu.memory_space<vmem>>)
    %dma_wait3A_116 = arith.constant 3 : i32
    %dma_wait3A_117 = arith.constant 3 : i32
    %dma_wait3A_118 = arith.constant 0 : i32
    %dma_wait3A_119 = tpu.memref_slice %arg6[%dma_wait3A_117, %dma_wait3A_118] : memref<4x64xi32, #tpu.memory_space<vmem>> -> memref<1x64xi32, #tpu.memory_space<vmem>>
    %dma_wait3A_120 = tpu.memref_squeeze %dma_wait3A_119 : memref<1x64xi32, #tpu.memory_space<vmem>> -> memref<64xi32, #tpu.memory_space<vmem>>
    %dma_wait3A_121 = tpu.memref_slice %arg2[%dma_wait3A_116, %mul3A_2] : memref<4x2048xi32, #tpu.memory_space<hbm>> -> memref<1x64xi32, #tpu.memory_space<hbm>>
    %dma_wait3A_122 = tpu.memref_squeeze %dma_wait3A_121 : memref<1x64xi32, #tpu.memory_space<hbm>> -> memref<64xi32, #tpu.memory_space<hbm>>
    %dma_wait3A_123 = arith.constant 0 : i32
    %dma_wait3A_124 = tpu.memref_slice %arg6[%dma_wait3A_117, %dma_wait3A_123] : memref<4x64xi32, #tpu.memory_space<vmem>> -> memref<1x64xi32, #tpu.memory_space<vmem>>
    %dma_wait3A_125 = tpu.memref_squeeze %dma_wait3A_124 : memref<1x64xi32, #tpu.memory_space<vmem>> -> memref<64xi32, #tpu.memory_space<vmem>>
    %dma_wait3A_126 = tpu.memref_slice %arg2[%dma_wait3A_116, %mul3A_2] : memref<4x2048xi32, #tpu.memory_space<hbm>> -> memref<1x64xi32, #tpu.memory_space<hbm>>
    %dma_wait3A_127 = tpu.memref_squeeze %dma_wait3A_126 : memref<1x64xi32, #tpu.memory_space<hbm>> -> memref<64xi32, #tpu.memory_space<hbm>>
    tpu.wait_dma2 semaphore(%arg8 : memref<!tpu.dma_semaphore, #tpu.memory_space<semaphore_mem>>) src(%dma_wait3A_127 : memref<64xi32, #tpu.memory_space<hbm>>) dst(%dma_wait3A_125 : memref<64xi32, #tpu.memory_space<vmem>>)
    %dma_start3A_128 = arith.constant 0 : i32
    %dma_start3A_129 = arith.constant 0 : i32
    %dma_start3A_130 = arith.constant 0 : i32
    %dma_start3A_131 = arith.constant 0 : i32
    %dma_start3A_132 = tpu.memref_slice %arg7[%dma_start3A_129, %dma_start3A_130, %dma_start3A_131] : memref<4x64x128xf32, #tpu.memory_space<vmem>> -> memref<1x64x128xf32, #tpu.memory_space<vmem>>
    %dma_start3A_133 = tpu.memref_squeeze %dma_start3A_132 : memref<1x64x128xf32, #tpu.memory_space<vmem>> -> memref<64x128xf32, #tpu.memory_space<vmem>>
    %dma_start3A_134 = arith.constant 0 : i32
    %dma_start3A_135 = tpu.memref_slice %arg6[%dma_start3A_128, %dma_start3A_134] : memref<4x64xi32, #tpu.memory_space<vmem>> -> memref<1x64xi32, #tpu.memory_space<vmem>>
    %dma_start3A_136 = tpu.memref_squeeze %dma_start3A_135 : memref<1x64xi32, #tpu.memory_space<vmem>> -> memref<64xi32, #tpu.memory_space<vmem>>
    %dma_start3A_137 = arith.constant 0 : i32
    %dma_start3A_138 = arith.constant 0 : i32
    %dma_start3A_139 = tpu.memref_slice %arg3[%dma_start3A_137, %dma_start3A_138] : memref<1000000x128xf32, #tpu.memory_space<hbm>> -> memref<1000000x128xf32, #tpu.memory_space<hbm>>
    tpu.enqueue_indirect_dma source(%dma_start3A_139 : memref<1000000x128xf32, #tpu.memory_space<hbm>>) target(%dma_start3A_133 : memref<64x128xf32, #tpu.memory_space<vmem>>) offsets(%dma_start3A_136 : memref<64xi32, #tpu.memory_space<vmem>>) semaphore(%arg10 : memref<!tpu.dma_semaphore, #tpu.memory_space<semaphore_mem>>) {add = true}
    %scan3A_140 = arith.constant 0 : i32
    %scan3A_141 = arith.constant 0 : i32
    %scan3A_142 = arith.constant 64 : i32
    %scan3A_143 = arith.addi %scan3A_141, %scan3A_142 : i32
    %scan3A_144 = arith.constant 1 : i32
    scf.for %scan3A_236 = %scan3A_141 to %scan3A_143 step %scan3A_144  : i32 {
      %get3A = arith.constant 1 : i32
      %get3A_237 = arith.index_cast %get3A : i32 to index
      %get3A_238 = arith.index_cast %scan3A_236 : i32 to index
      %get3A_239 = arith.constant 0 : index
      %get3A_240 = tpu.vector_load %arg7[%get3A_237, %get3A_238, %get3A_239] {strides = array<i32>} : memref<4x64x128xf32, #tpu.memory_space<vmem>>, vector<1x1x16xf32>,
      %get3A_241 = vector.shape_cast %get3A_240 : vector<1x1x16xf32> to vector<16xf32>
      %swap3A = arith.constant 2 : i32
      %swap3A_242 = arith.index_cast %swap3A : i32 to index
      %swap3A_243 = arith.index_cast %scan3A_236 : i32 to index
      %swap3A_244 = arith.constant 0 : index
      %swap3A_245 = tpu.vector_load %arg7[%swap3A_242, %swap3A_243, %swap3A_244] {strides = array<i32>} : memref<4x64x128xf32, #tpu.memory_space<vmem>>, vector<1x1x16xf32>,
      %swap3A_246 = vector.shape_cast %swap3A_245 : vector<1x1x16xf32> to vector<16xf32>
      %swap3A_247 = vector.shape_cast %get3A_241 : vector<16xf32> to vector<1x1x16xf32>
      tpu.vector_store %arg7[%swap3A_242, %swap3A_243, %swap3A_244], %swap3A_247 {strides = array<i32>} : memref<4x64x128xf32, #tpu.memory_space<vmem>>, vector<1x1x16xf32>,
      %get3A_248 = arith.constant 1 : i32
      %get3A_249 = arith.index_cast %get3A_248 : i32 to index
      %get3A_250 = arith.index_cast %scan3A_236 : i32 to index
      %get3A_251 = arith.constant 16 : index
      %get3A_252 = tpu.vector_load %arg7[%get3A_249, %get3A_250, %get3A_251] {strides = array<i32>} : memref<4x64x128xf32, #tpu.memory_space<vmem>>, vector<1x1x16xf32>,
      %get3A_253 = vector.shape_cast %get3A_252 : vector<1x1x16xf32> to vector<16xf32>
      %swap3A_254 = arith.constant 2 : i32
      %swap3A_255 = arith.index_cast %swap3A_254 : i32 to index
      %swap3A_256 = arith.index_cast %scan3A_236 : i32 to index
      %swap3A_257 = arith.constant 16 : index
      %swap3A_258 = tpu.vector_load %arg7[%swap3A_255, %swap3A_256, %swap3A_257] {strides = array<i32>} : memref<4x64x128xf32, #tpu.memory_space<vmem>>, vector<1x1x16xf32>,
      %swap3A_259 = vector.shape_cast %swap3A_258 : vector<1x1x16xf32> to vector<16xf32>
      %swap3A_260 = vector.shape_cast %get3A_253 : vector<16xf32> to vector<1x1x16xf32>
      tpu.vector_store %arg7[%swap3A_255, %swap3A_256, %swap3A_257], %swap3A_260 {strides = array<i32>} : memref<4x64x128xf32, #tpu.memory_space<vmem>>, vector<1x1x16xf32>,
      %get3A_261 = arith.constant 1 : i32
      %get3A_262 = arith.index_cast %get3A_261 : i32 to index
      %get3A_263 = arith.index_cast %scan3A_236 : i32 to index
      %get3A_264 = arith.constant 32 : index
      %get3A_265 = tpu.vector_load %arg7[%get3A_262, %get3A_263, %get3A_264] {strides = array<i32>} : memref<4x64x128xf32, #tpu.memory_space<vmem>>, vector<1x1x16xf32>,
      %get3A_266 = vector.shape_cast %get3A_265 : vector<1x1x16xf32> to vector<16xf32>
      %swap3A_267 = arith.constant 2 : i32
      %swap3A_268 = arith.index_cast %swap3A_267 : i32 to index
      %swap3A_269 = arith.index_cast %scan3A_236 : i32 to index
      %swap3A_270 = arith.constant 32 : index
      %swap3A_271 = tpu.vector_load %arg7[%swap3A_268, %swap3A_269, %swap3A_270] {strides = array<i32>} : memref<4x64x128xf32, #tpu.memory_space<vmem>>, vector<1x1x16xf32>,
      %swap3A_272 = vector.shape_cast %swap3A_271 : vector<1x1x16xf32> to vector<16xf32>
      %swap3A_273 = vector.shape_cast %get3A_266 : vector<16xf32> to vector<1x1x16xf32>
      tpu.vector_store %arg7[%swap3A_268, %swap3A_269, %swap3A_270], %swap3A_273 {strides = array<i32>} : memref<4x64x128xf32, #tpu.memory_space<vmem>>, vector<1x1x16xf32>,
      %get3A_274 = arith.constant 1 : i32
      %get3A_275 = arith.index_cast %get3A_274 : i32 to index
      %get3A_276 = arith.index_cast %scan3A_236 : i32 to index
      %get3A_277 = arith.constant 48 : index
      %get3A_278 = tpu.vector_load %arg7[%get3A_275, %get3A_276, %get3A_277] {strides = array<i32>} : memref<4x64x128xf32, #tpu.memory_space<vmem>>, vector<1x1x16xf32>,
      %get3A_279 = vector.shape_cast %get3A_278 : vector<1x1x16xf32> to vector<16xf32>
      %swap3A_280 = arith.constant 2 : i32
      %swap3A_281 = arith.index_cast %swap3A_280 : i32 to index
      %swap3A_282 = arith.index_cast %scan3A_236 : i32 to index
      %swap3A_283 = arith.constant 48 : index
      %swap3A_284 = tpu.vector_load %arg7[%swap3A_281, %swap3A_282, %swap3A_283] {strides = array<i32>} : memref<4x64x128xf32, #tpu.memory_space<vmem>>, vector<1x1x16xf32>,
      %swap3A_285 = vector.shape_cast %swap3A_284 : vector<1x1x16xf32> to vector<16xf32>
      %swap3A_286 = vector.shape_cast %get3A_279 : vector<16xf32> to vector<1x1x16xf32>
      tpu.vector_store %arg7[%swap3A_281, %swap3A_282, %swap3A_283], %swap3A_286 {strides = array<i32>} : memref<4x64x128xf32, #tpu.memory_space<vmem>>, vector<1x1x16xf32>,
      %get3A_287 = arith.constant 1 : i32
      %get3A_288 = arith.index_cast %get3A_287 : i32 to index
      %get3A_289 = arith.index_cast %scan3A_236 : i32 to index
      %get3A_290 = arith.constant 64 : index
      %get3A_291 = tpu.vector_load %arg7[%get3A_288, %get3A_289, %get3A_290] {strides = array<i32>} : memref<4x64x128xf32, #tpu.memory_space<vmem>>, vector<1x1x16xf32>,
      %get3A_292 = vector.shape_cast %get3A_291 : vector<1x1x16xf32> to vector<16xf32>
      %swap3A_293 = arith.constant 2 : i32
      %swap3A_294 = arith.index_cast %swap3A_293 : i32 to index
      %swap3A_295 = arith.index_cast %scan3A_236 : i32 to index
      %swap3A_296 = arith.constant 64 : index
      %swap3A_297 = tpu.vector_load %arg7[%swap3A_294, %swap3A_295, %swap3A_296] {strides = array<i32>} : memref<4x64x128xf32, #tpu.memory_space<vmem>>, vector<1x1x16xf32>,
      %swap3A_298 = vector.shape_cast %swap3A_297 : vector<1x1x16xf32> to vector<16xf32>
      %swap3A_299 = vector.shape_cast %get3A_292 : vector<16xf32> to vector<1x1x16xf32>
      tpu.vector_store %arg7[%swap3A_294, %swap3A_295, %swap3A_296], %swap3A_299 {strides = array<i32>} : memref<4x64x128xf32, #tpu.memory_space<vmem>>, vector<1x1x16xf32>,
      %get3A_300 = arith.constant 1 : i32
      %get3A_301 = arith.index_cast %get3A_300 : i32 to index
      %get3A_302 = arith.index_cast %scan3A_236 : i32 to index
      %get3A_303 = arith.constant 80 : index
      %get3A_304 = tpu.vector_load %arg7[%get3A_301, %get3A_302, %get3A_303] {strides = array<i32>} : memref<4x64x128xf32, #tpu.memory_space<vmem>>, vector<1x1x16xf32>,
      %get3A_305 = vector.shape_cast %get3A_304 : vector<1x1x16xf32> to vector<16xf32>
      %swap3A_306 = arith.constant 2 : i32
      %swap3A_307 = arith.index_cast %swap3A_306 : i32 to index
      %swap3A_308 = arith.index_cast %scan3A_236 : i32 to index
      %swap3A_309 = arith.constant 80 : index
      %swap3A_310 = tpu.vector_load %arg7[%swap3A_307, %swap3A_308, %swap3A_309] {strides = array<i32>} : memref<4x64x128xf32, #tpu.memory_space<vmem>>, vector<1x1x16xf32>,
      %swap3A_311 = vector.shape_cast %swap3A_310 : vector<1x1x16xf32> to vector<16xf32>
      %swap3A_312 = vector.shape_cast %get3A_305 : vector<16xf32> to vector<1x1x16xf32>
      tpu.vector_store %arg7[%swap3A_307, %swap3A_308, %swap3A_309], %swap3A_312 {strides = array<i32>} : memref<4x64x128xf32, #tpu.memory_space<vmem>>, vector<1x1x16xf32>,
      %get3A_313 = arith.constant 1 : i32
      %get3A_314 = arith.index_cast %get3A_313 : i32 to index
      %get3A_315 = arith.index_cast %scan3A_236 : i32 to index
      %get3A_316 = arith.constant 96 : index
      %get3A_317 = tpu.vector_load %arg7[%get3A_314, %get3A_315, %get3A_316] {strides = array<i32>} : memref<4x64x128xf32, #tpu.memory_space<vmem>>, vector<1x1x16xf32>,
      %get3A_318 = vector.shape_cast %get3A_317 : vector<1x1x16xf32> to vector<16xf32>
      %swap3A_319 = arith.constant 2 : i32
      %swap3A_320 = arith.index_cast %swap3A_319 : i32 to index
      %swap3A_321 = arith.index_cast %scan3A_236 : i32 to index
      %swap3A_322 = arith.constant 96 : index
      %swap3A_323 = tpu.vector_load %arg7[%swap3A_320, %swap3A_321, %swap3A_322] {strides = array<i32>} : memref<4x64x128xf32, #tpu.memory_space<vmem>>, vector<1x1x16xf32>,
      %swap3A_324 = vector.shape_cast %swap3A_323 : vector<1x1x16xf32> to vector<16xf32>
      %swap3A_325 = vector.shape_cast %get3A_318 : vector<16xf32> to vector<1x1x16xf32>
      tpu.vector_store %arg7[%swap3A_320, %swap3A_321, %swap3A_322], %swap3A_325 {strides = array<i32>} : memref<4x64x128xf32, #tpu.memory_space<vmem>>, vector<1x1x16xf32>,
      %get3A_326 = arith.constant 1 : i32
      %get3A_327 = arith.index_cast %get3A_326 : i32 to index
      %get3A_328 = arith.index_cast %scan3A_236 : i32 to index
      %get3A_329 = arith.constant 112 : index
      %get3A_330 = tpu.vector_load %arg7[%get3A_327, %get3A_328, %get3A_329] {strides = array<i32>} : memref<4x64x128xf32, #tpu.memory_space<vmem>>, vector<1x1x16xf32>,
      %get3A_331 = vector.shape_cast %get3A_330 : vector<1x1x16xf32> to vector<16xf32>
      %swap3A_332 = arith.constant 2 : i32
      %swap3A_333 = arith.index_cast %swap3A_332 : i32 to index
      %swap3A_334 = arith.index_cast %scan3A_236 : i32 to index
      %swap3A_335 = arith.constant 112 : index
      %swap3A_336 = tpu.vector_load %arg7[%swap3A_333, %swap3A_334, %swap3A_335] {strides = array<i32>} : memref<4x64x128xf32, #tpu.memory_space<vmem>>, vector<1x1x16xf32>,
      %swap3A_337 = vector.shape_cast %swap3A_336 : vector<1x1x16xf32> to vector<16xf32>
      %swap3A_338 = vector.shape_cast %get3A_331 : vector<16xf32> to vector<1x1x16xf32>
      tpu.vector_store %arg7[%swap3A_333, %swap3A_334, %swap3A_335], %swap3A_338 {strides = array<i32>} : memref<4x64x128xf32, #tpu.memory_space<vmem>>, vector<1x1x16xf32>,
    }
    %scan3A_145 = arith.constant 64 : i32
    %dma_start3A_146 = arith.constant 1 : i32
    %dma_start3A_147 = arith.constant 1 : i32
    %dma_start3A_148 = arith.constant 0 : i32
    %dma_start3A_149 = arith.constant 0 : i32
    %dma_start3A_150 = tpu.memref_slice %arg7[%dma_start3A_147, %dma_start3A_148, %dma_start3A_149] : memref<4x64x128xf32, #tpu.memory_space<vmem>> -> memref<1x64x128xf32, #tpu.memory_space<vmem>>
    %dma_start3A_151 = tpu.memref_squeeze %dma_start3A_150 : memref<1x64x128xf32, #tpu.memory_space<vmem>> -> memref<64x128xf32, #tpu.memory_space<vmem>>
    %dma_start3A_152 = arith.constant 0 : i32
    %dma_start3A_153 = tpu.memref_slice %arg6[%dma_start3A_146, %dma_start3A_152] : memref<4x64xi32, #tpu.memory_space<vmem>> -> memref<1x64xi32, #tpu.memory_space<vmem>>
    %dma_start3A_154 = tpu.memref_squeeze %dma_start3A_153 : memref<1x64xi32, #tpu.memory_space<vmem>> -> memref<64xi32, #tpu.memory_space<vmem>>
    %dma_start3A_155 = arith.constant 0 : i32
    %dma_start3A_156 = arith.constant 0 : i32
    %dma_start3A_157 = tpu.memref_slice %arg3[%dma_start3A_155, %dma_start3A_156] : memref<1000000x128xf32, #tpu.memory_space<hbm>> -> memref<1000000x128xf32, #tpu.memory_space<hbm>>
    tpu.enqueue_indirect_dma source(%dma_start3A_157 : memref<1000000x128xf32, #tpu.memory_space<hbm>>) target(%dma_start3A_151 : memref<64x128xf32, #tpu.memory_space<vmem>>) offsets(%dma_start3A_154 : memref<64xi32, #tpu.memory_space<vmem>>) semaphore(%arg11 : memref<!tpu.dma_semaphore, #tpu.memory_space<semaphore_mem>>) {add = true}
    %scan3A_158 = arith.constant 0 : i32
    %scan3A_159 = arith.constant 0 : i32
    %scan3A_160 = arith.constant 64 : i32
    %scan3A_161 = arith.addi %scan3A_159, %scan3A_160 : i32
    %scan3A_162 = arith.constant 1 : i32
    scf.for %scan3A_236 = %scan3A_159 to %scan3A_161 step %scan3A_162  : i32 {
      %get3A = arith.constant 2 : i32
      %get3A_237 = arith.index_cast %get3A : i32 to index
      %get3A_238 = arith.index_cast %scan3A_236 : i32 to index
      %get3A_239 = arith.constant 0 : index
      %get3A_240 = tpu.vector_load %arg7[%get3A_237, %get3A_238, %get3A_239] {strides = array<i32>} : memref<4x64x128xf32, #tpu.memory_space<vmem>>, vector<1x1x16xf32>,
      %get3A_241 = vector.shape_cast %get3A_240 : vector<1x1x16xf32> to vector<16xf32>
      %swap3A = arith.constant 3 : i32
      %swap3A_242 = arith.index_cast %swap3A : i32 to index
      %swap3A_243 = arith.index_cast %scan3A_236 : i32 to index
      %swap3A_244 = arith.constant 0 : index
      %swap3A_245 = tpu.vector_load %arg7[%swap3A_242, %swap3A_243, %swap3A_244] {strides = array<i32>} : memref<4x64x128xf32, #tpu.memory_space<vmem>>, vector<1x1x16xf32>,
      %swap3A_246 = vector.shape_cast %swap3A_245 : vector<1x1x16xf32> to vector<16xf32>
      %swap3A_247 = vector.shape_cast %get3A_241 : vector<16xf32> to vector<1x1x16xf32>
      tpu.vector_store %arg7[%swap3A_242, %swap3A_243, %swap3A_244], %swap3A_247 {strides = array<i32>} : memref<4x64x128xf32, #tpu.memory_space<vmem>>, vector<1x1x16xf32>,
      %get3A_248 = arith.constant 2 : i32
      %get3A_249 = arith.index_cast %get3A_248 : i32 to index
      %get3A_250 = arith.index_cast %scan3A_236 : i32 to index
      %get3A_251 = arith.constant 16 : index
      %get3A_252 = tpu.vector_load %arg7[%get3A_249, %get3A_250, %get3A_251] {strides = array<i32>} : memref<4x64x128xf32, #tpu.memory_space<vmem>>, vector<1x1x16xf32>,
      %get3A_253 = vector.shape_cast %get3A_252 : vector<1x1x16xf32> to vector<16xf32>
      %swap3A_254 = arith.constant 3 : i32
      %swap3A_255 = arith.index_cast %swap3A_254 : i32 to index
      %swap3A_256 = arith.index_cast %scan3A_236 : i32 to index
      %swap3A_257 = arith.constant 16 : index
      %swap3A_258 = tpu.vector_load %arg7[%swap3A_255, %swap3A_256, %swap3A_257] {strides = array<i32>} : memref<4x64x128xf32, #tpu.memory_space<vmem>>, vector<1x1x16xf32>,
      %swap3A_259 = vector.shape_cast %swap3A_258 : vector<1x1x16xf32> to vector<16xf32>
      %swap3A_260 = vector.shape_cast %get3A_253 : vector<16xf32> to vector<1x1x16xf32>
      tpu.vector_store %arg7[%swap3A_255, %swap3A_256, %swap3A_257], %swap3A_260 {strides = array<i32>} : memref<4x64x128xf32, #tpu.memory_space<vmem>>, vector<1x1x16xf32>,
      %get3A_261 = arith.constant 2 : i32
      %get3A_262 = arith.index_cast %get3A_261 : i32 to index
      %get3A_263 = arith.index_cast %scan3A_236 : i32 to index
      %get3A_264 = arith.constant 32 : index
      %get3A_265 = tpu.vector_load %arg7[%get3A_262, %get3A_263, %get3A_264] {strides = array<i32>} : memref<4x64x128xf32, #tpu.memory_space<vmem>>, vector<1x1x16xf32>,
      %get3A_266 = vector.shape_cast %get3A_265 : vector<1x1x16xf32> to vector<16xf32>
      %swap3A_267 = arith.constant 3 : i32
      %swap3A_268 = arith.index_cast %swap3A_267 : i32 to index
      %swap3A_269 = arith.index_cast %scan3A_236 : i32 to index
      %swap3A_270 = arith.constant 32 : index
      %swap3A_271 = tpu.vector_load %arg7[%swap3A_268, %swap3A_269, %swap3A_270] {strides = array<i32>} : memref<4x64x128xf32, #tpu.memory_space<vmem>>, vector<1x1x16xf32>,
      %swap3A_272 = vector.shape_cast %swap3A_271 : vector<1x1x16xf32> to vector<16xf32>
      %swap3A_273 = vector.shape_cast %get3A_266 : vector<16xf32> to vector<1x1x16xf32>
      tpu.vector_store %arg7[%swap3A_268, %swap3A_269, %swap3A_270], %swap3A_273 {strides = array<i32>} : memref<4x64x128xf32, #tpu.memory_space<vmem>>, vector<1x1x16xf32>,
      %get3A_274 = arith.constant 2 : i32
      %get3A_275 = arith.index_cast %get3A_274 : i32 to index
      %get3A_276 = arith.index_cast %scan3A_236 : i32 to index
      %get3A_277 = arith.constant 48 : index
      %get3A_278 = tpu.vector_load %arg7[%get3A_275, %get3A_276, %get3A_277] {strides = array<i32>} : memref<4x64x128xf32, #tpu.memory_space<vmem>>, vector<1x1x16xf32>,
      %get3A_279 = vector.shape_cast %get3A_278 : vector<1x1x16xf32> to vector<16xf32>
      %swap3A_280 = arith.constant 3 : i32
      %swap3A_281 = arith.index_cast %swap3A_280 : i32 to index
      %swap3A_282 = arith.index_cast %scan3A_236 : i32 to index
      %swap3A_283 = arith.constant 48 : index
      %swap3A_284 = tpu.vector_load %arg7[%swap3A_281, %swap3A_282, %swap3A_283] {strides = array<i32>} : memref<4x64x128xf32, #tpu.memory_space<vmem>>, vector<1x1x16xf32>,
      %swap3A_285 = vector.shape_cast %swap3A_284 : vector<1x1x16xf32> to vector<16xf32>
      %swap3A_286 = vector.shape_cast %get3A_279 : vector<16xf32> to vector<1x1x16xf32>
      tpu.vector_store %arg7[%swap3A_281, %swap3A_282, %swap3A_283], %swap3A_286 {strides = array<i32>} : memref<4x64x128xf32, #tpu.memory_space<vmem>>, vector<1x1x16xf32>,
      %get3A_287 = arith.constant 2 : i32
      %get3A_288 = arith.index_cast %get3A_287 : i32 to index
      %get3A_289 = arith.index_cast %scan3A_236 : i32 to index
      %get3A_290 = arith.constant 64 : index
      %get3A_291 = tpu.vector_load %arg7[%get3A_288, %get3A_289, %get3A_290] {strides = array<i32>} : memref<4x64x128xf32, #tpu.memory_space<vmem>>, vector<1x1x16xf32>,
      %get3A_292 = vector.shape_cast %get3A_291 : vector<1x1x16xf32> to vector<16xf32>
      %swap3A_293 = arith.constant 3 : i32
      %swap3A_294 = arith.index_cast %swap3A_293 : i32 to index
      %swap3A_295 = arith.index_cast %scan3A_236 : i32 to index
      %swap3A_296 = arith.constant 64 : index
      %swap3A_297 = tpu.vector_load %arg7[%swap3A_294, %swap3A_295, %swap3A_296] {strides = array<i32>} : memref<4x64x128xf32, #tpu.memory_space<vmem>>, vector<1x1x16xf32>,
      %swap3A_298 = vector.shape_cast %swap3A_297 : vector<1x1x16xf32> to vector<16xf32>
      %swap3A_299 = vector.shape_cast %get3A_292 : vector<16xf32> to vector<1x1x16xf32>
      tpu.vector_store %arg7[%swap3A_294, %swap3A_295, %swap3A_296], %swap3A_299 {strides = array<i32>} : memref<4x64x128xf32, #tpu.memory_space<vmem>>, vector<1x1x16xf32>,
      %get3A_300 = arith.constant 2 : i32
      %get3A_301 = arith.index_cast %get3A_300 : i32 to index
      %get3A_302 = arith.index_cast %scan3A_236 : i32 to index
      %get3A_303 = arith.constant 80 : index
      %get3A_304 = tpu.vector_load %arg7[%get3A_301, %get3A_302, %get3A_303] {strides = array<i32>} : memref<4x64x128xf32, #tpu.memory_space<vmem>>, vector<1x1x16xf32>,
      %get3A_305 = vector.shape_cast %get3A_304 : vector<1x1x16xf32> to vector<16xf32>
      %swap3A_306 = arith.constant 3 : i32
      %swap3A_307 = arith.index_cast %swap3A_306 : i32 to index
      %swap3A_308 = arith.index_cast %scan3A_236 : i32 to index
      %swap3A_309 = arith.constant 80 : index
      %swap3A_310 = tpu.vector_load %arg7[%swap3A_307, %swap3A_308, %swap3A_309] {strides = array<i32>} : memref<4x64x128xf32, #tpu.memory_space<vmem>>, vector<1x1x16xf32>,
      %swap3A_311 = vector.shape_cast %swap3A_310 : vector<1x1x16xf32> to vector<16xf32>
      %swap3A_312 = vector.shape_cast %get3A_305 : vector<16xf32> to vector<1x1x16xf32>
      tpu.vector_store %arg7[%swap3A_307, %swap3A_308, %swap3A_309], %swap3A_312 {strides = array<i32>} : memref<4x64x128xf32, #tpu.memory_space<vmem>>, vector<1x1x16xf32>,
      %get3A_313 = arith.constant 2 : i32
      %get3A_314 = arith.index_cast %get3A_313 : i32 to index
      %get3A_315 = arith.index_cast %scan3A_236 : i32 to index
      %get3A_316 = arith.constant 96 : index
      %get3A_317 = tpu.vector_load %arg7[%get3A_314, %get3A_315, %get3A_316] {strides = array<i32>} : memref<4x64x128xf32, #tpu.memory_space<vmem>>, vector<1x1x16xf32>,
      %get3A_318 = vector.shape_cast %get3A_317 : vector<1x1x16xf32> to vector<16xf32>
      %swap3A_319 = arith.constant 3 : i32
      %swap3A_320 = arith.index_cast %swap3A_319 : i32 to index
      %swap3A_321 = arith.index_cast %scan3A_236 : i32 to index
      %swap3A_322 = arith.constant 96 : index
      %swap3A_323 = tpu.vector_load %arg7[%swap3A_320, %swap3A_321, %swap3A_322] {strides = array<i32>} : memref<4x64x128xf32, #tpu.memory_space<vmem>>, vector<1x1x16xf32>,
      %swap3A_324 = vector.shape_cast %swap3A_323 : vector<1x1x16xf32> to vector<16xf32>
      %swap3A_325 = vector.shape_cast %get3A_318 : vector<16xf32> to vector<1x1x16xf32>
      tpu.vector_store %arg7[%swap3A_320, %swap3A_321, %swap3A_322], %swap3A_325 {strides = array<i32>} : memref<4x64x128xf32, #tpu.memory_space<vmem>>, vector<1x1x16xf32>,
      %get3A_326 = arith.constant 2 : i32
      %get3A_327 = arith.index_cast %get3A_326 : i32 to index
      %get3A_328 = arith.index_cast %scan3A_236 : i32 to index
      %get3A_329 = arith.constant 112 : index
      %get3A_330 = tpu.vector_load %arg7[%get3A_327, %get3A_328, %get3A_329] {strides = array<i32>} : memref<4x64x128xf32, #tpu.memory_space<vmem>>, vector<1x1x16xf32>,
      %get3A_331 = vector.shape_cast %get3A_330 : vector<1x1x16xf32> to vector<16xf32>
      %swap3A_332 = arith.constant 3 : i32
      %swap3A_333 = arith.index_cast %swap3A_332 : i32 to index
      %swap3A_334 = arith.index_cast %scan3A_236 : i32 to index
      %swap3A_335 = arith.constant 112 : index
      %swap3A_336 = tpu.vector_load %arg7[%swap3A_333, %swap3A_334, %swap3A_335] {strides = array<i32>} : memref<4x64x128xf32, #tpu.memory_space<vmem>>, vector<1x1x16xf32>,
      %swap3A_337 = vector.shape_cast %swap3A_336 : vector<1x1x16xf32> to vector<16xf32>
      %swap3A_338 = vector.shape_cast %get3A_331 : vector<16xf32> to vector<1x1x16xf32>
      tpu.vector_store %arg7[%swap3A_333, %swap3A_334, %swap3A_335], %swap3A_338 {strides = array<i32>} : memref<4x64x128xf32, #tpu.memory_space<vmem>>, vector<1x1x16xf32>,
    }
    %scan3A_163 = arith.constant 64 : i32
    %dma_start3A_164 = arith.constant 2 : i32
    %dma_start3A_165 = arith.constant 2 : i32
    %dma_start3A_166 = arith.constant 0 : i32
    %dma_start3A_167 = arith.constant 0 : i32
    %dma_start3A_168 = tpu.memref_slice %arg7[%dma_start3A_165, %dma_start3A_166, %dma_start3A_167] : memref<4x64x128xf32, #tpu.memory_space<vmem>> -> memref<1x64x128xf32, #tpu.memory_space<vmem>>
    %dma_start3A_169 = tpu.memref_squeeze %dma_start3A_168 : memref<1x64x128xf32, #tpu.memory_space<vmem>> -> memref<64x128xf32, #tpu.memory_space<vmem>>
    %dma_start3A_170 = arith.constant 0 : i32
    %dma_start3A_171 = tpu.memref_slice %arg6[%dma_start3A_164, %dma_start3A_170] : memref<4x64xi32, #tpu.memory_space<vmem>> -> memref<1x64xi32, #tpu.memory_space<vmem>>
    %dma_start3A_172 = tpu.memref_squeeze %dma_start3A_171 : memref<1x64xi32, #tpu.memory_space<vmem>> -> memref<64xi32, #tpu.memory_space<vmem>>
    %dma_start3A_173 = arith.constant 0 : i32
    %dma_start3A_174 = arith.constant 0 : i32
    %dma_start3A_175 = tpu.memref_slice %arg3[%dma_start3A_173, %dma_start3A_174] : memref<1000000x128xf32, #tpu.memory_space<hbm>> -> memref<1000000x128xf32, #tpu.memory_space<hbm>>
    tpu.enqueue_indirect_dma source(%dma_start3A_175 : memref<1000000x128xf32, #tpu.memory_space<hbm>>) target(%dma_start3A_169 : memref<64x128xf32, #tpu.memory_space<vmem>>) offsets(%dma_start3A_172 : memref<64xi32, #tpu.memory_space<vmem>>) semaphore(%arg12 : memref<!tpu.dma_semaphore, #tpu.memory_space<semaphore_mem>>) {add = true}
    %dma_start3A_176 = arith.constant 3 : i32
    %dma_start3A_177 = arith.constant 3 : i32
    %dma_start3A_178 = arith.constant 0 : i32
    %dma_start3A_179 = arith.constant 0 : i32
    %dma_start3A_180 = tpu.memref_slice %arg7[%dma_start3A_177, %dma_start3A_178, %dma_start3A_179] : memref<4x64x128xf32, #tpu.memory_space<vmem>> -> memref<1x64x128xf32, #tpu.memory_space<vmem>>
    %dma_start3A_181 = tpu.memref_squeeze %dma_start3A_180 : memref<1x64x128xf32, #tpu.memory_space<vmem>> -> memref<64x128xf32, #tpu.memory_space<vmem>>
    %dma_start3A_182 = arith.constant 0 : i32
    %dma_start3A_183 = tpu.memref_slice %arg6[%dma_start3A_176, %dma_start3A_182] : memref<4x64xi32, #tpu.memory_space<vmem>> -> memref<1x64xi32, #tpu.memory_space<vmem>>
    %dma_start3A_184 = tpu.memref_squeeze %dma_start3A_183 : memref<1x64xi32, #tpu.memory_space<vmem>> -> memref<64xi32, #tpu.memory_space<vmem>>
    %dma_start3A_185 = arith.constant 0 : i32
    %dma_start3A_186 = arith.constant 0 : i32
    %dma_start3A_187 = tpu.memref_slice %arg3[%dma_start3A_185, %dma_start3A_186] : memref<1000000x128xf32, #tpu.memory_space<hbm>> -> memref<1000000x128xf32, #tpu.memory_space<hbm>>
    tpu.enqueue_indirect_dma source(%dma_start3A_187 : memref<1000000x128xf32, #tpu.memory_space<hbm>>) target(%dma_start3A_181 : memref<64x128xf32, #tpu.memory_space<vmem>>) offsets(%dma_start3A_184 : memref<64xi32, #tpu.memory_space<vmem>>) semaphore(%arg13 : memref<!tpu.dma_semaphore, #tpu.memory_space<semaphore_mem>>) {add = true}
    %dma_wait3A_188 = arith.constant 0 : i32
    %dma_wait3A_189 = arith.constant 0 : i32
    %dma_wait3A_190 = arith.constant 0 : i32
    %dma_wait3A_191 = arith.constant 0 : i32
    %dma_wait3A_192 = tpu.memref_slice %arg7[%dma_wait3A_189, %dma_wait3A_190, %dma_wait3A_191] : memref<4x64x128xf32, #tpu.memory_space<vmem>> -> memref<1x64x128xf32, #tpu.memory_space<vmem>>
    %dma_wait3A_193 = tpu.memref_squeeze %dma_wait3A_192 : memref<1x64x128xf32, #tpu.memory_space<vmem>> -> memref<64x128xf32, #tpu.memory_space<vmem>>
    %dma_wait3A_194 = arith.constant 0 : i32
    %dma_wait3A_195 = tpu.memref_slice %arg6[%dma_wait3A_188, %dma_wait3A_194] : memref<4x64xi32, #tpu.memory_space<vmem>> -> memref<1x64xi32, #tpu.memory_space<vmem>>
    %dma_wait3A_196 = tpu.memref_squeeze %dma_wait3A_195 : memref<1x64xi32, #tpu.memory_space<vmem>> -> memref<64xi32, #tpu.memory_space<vmem>>
    %dma_wait3A_197 = arith.constant 0 : i32
    %dma_wait3A_198 = arith.constant 0 : i32
    %dma_wait3A_199 = tpu.memref_slice %arg3[%dma_wait3A_197, %dma_wait3A_198] : memref<1000000x128xf32, #tpu.memory_space<hbm>> -> memref<1000000x128xf32, #tpu.memory_space<hbm>>
    tpu.wait_indirect_dma semaphore(%arg10 : memref<!tpu.dma_semaphore, #tpu.memory_space<semaphore_mem>>) src(%dma_wait3A_199 : memref<1000000x128xf32, #tpu.memory_space<hbm>>) dst(%dma_wait3A_193 : memref<64x128xf32, #tpu.memory_space<vmem>>)
    %dma_wait3A_200 = arith.constant 1 : i32
    %dma_wait3A_201 = arith.constant 1 : i32
    %dma_wait3A_202 = arith.constant 0 : i32
    %dma_wait3A_203 = arith.constant 0 : i32
    %dma_wait3A_204 = tpu.memref_slice %arg7[%dma_wait3A_201, %dma_wait3A_202, %dma_wait3A_203] : memref<4x64x128xf32, #tpu.memory_space<vmem>> -> memref<1x64x128xf32, #tpu.memory_space<vmem>>
    %dma_wait3A_205 = tpu.memref_squeeze %dma_wait3A_204 : memref<1x64x128xf32, #tpu.memory_space<vmem>> -> memref<64x128xf32, #tpu.memory_space<vmem>>
    %dma_wait3A_206 = arith.constant 0 : i32
    %dma_wait3A_207 = tpu.memref_slice %arg6[%dma_wait3A_200, %dma_wait3A_206] : memref<4x64xi32, #tpu.memory_space<vmem>> -> memref<1x64xi32, #tpu.memory_space<vmem>>
    %dma_wait3A_208 = tpu.memref_squeeze %dma_wait3A_207 : memref<1x64xi32, #tpu.memory_space<vmem>> -> memref<64xi32, #tpu.memory_space<vmem>>
    %dma_wait3A_209 = arith.constant 0 : i32
    %dma_wait3A_210 = arith.constant 0 : i32
    %dma_wait3A_211 = tpu.memref_slice %arg3[%dma_wait3A_209, %dma_wait3A_210] : memref<1000000x128xf32, #tpu.memory_space<hbm>> -> memref<1000000x128xf32, #tpu.memory_space<hbm>>
    tpu.wait_indirect_dma semaphore(%arg11 : memref<!tpu.dma_semaphore, #tpu.memory_space<semaphore_mem>>) src(%dma_wait3A_211 : memref<1000000x128xf32, #tpu.memory_space<hbm>>) dst(%dma_wait3A_205 : memref<64x128xf32, #tpu.memory_space<vmem>>)
    %dma_wait3A_212 = arith.constant 2 : i32
    %dma_wait3A_213 = arith.constant 2 : i32
    %dma_wait3A_214 = arith.constant 0 : i32
    %dma_wait3A_215 = arith.constant 0 : i32
    %dma_wait3A_216 = tpu.memref_slice %arg7[%dma_wait3A_213, %dma_wait3A_214, %dma_wait3A_215] : memref<4x64x128xf32, #tpu.memory_space<vmem>> -> memref<1x64x128xf32, #tpu.memory_space<vmem>>
    %dma_wait3A_217 = tpu.memref_squeeze %dma_wait3A_216 : memref<1x64x128xf32, #tpu.memory_space<vmem>> -> memref<64x128xf32, #tpu.memory_space<vmem>>
    %dma_wait3A_218 = arith.constant 0 : i32
    %dma_wait3A_219 = tpu.memref_slice %arg6[%dma_wait3A_212, %dma_wait3A_218] : memref<4x64xi32, #tpu.memory_space<vmem>> -> memref<1x64xi32, #tpu.memory_space<vmem>>
    %dma_wait3A_220 = tpu.memref_squeeze %dma_wait3A_219 : memref<1x64xi32, #tpu.memory_space<vmem>> -> memref<64xi32, #tpu.memory_space<vmem>>
    %dma_wait3A_221 = arith.constant 0 : i32
    %dma_wait3A_222 = arith.constant 0 : i32
    %dma_wait3A_223 = tpu.memref_slice %arg3[%dma_wait3A_221, %dma_wait3A_222] : memref<1000000x128xf32, #tpu.memory_space<hbm>> -> memref<1000000x128xf32, #tpu.memory_space<hbm>>
    tpu.wait_indirect_dma semaphore(%arg12 : memref<!tpu.dma_semaphore, #tpu.memory_space<semaphore_mem>>) src(%dma_wait3A_223 : memref<1000000x128xf32, #tpu.memory_space<hbm>>) dst(%dma_wait3A_217 : memref<64x128xf32, #tpu.memory_space<vmem>>)
    %dma_wait3A_224 = arith.constant 3 : i32
    %dma_wait3A_225 = arith.constant 3 : i32
    %dma_wait3A_226 = arith.constant 0 : i32
    %dma_wait3A_227 = arith.constant 0 : i32
    %dma_wait3A_228 = tpu.memref_slice %arg7[%dma_wait3A_225, %dma_wait3A_226, %dma_wait3A_227] : memref<4x64x128xf32, #tpu.memory_space<vmem>> -> memref<1x64x128xf32, #tpu.memory_space<vmem>>
    %dma_wait3A_229 = tpu.memref_squeeze %dma_wait3A_228 : memref<1x64x128xf32, #tpu.memory_space<vmem>> -> memref<64x128xf32, #tpu.memory_space<vmem>>
    %dma_wait3A_230 = arith.constant 0 : i32
    %dma_wait3A_231 = tpu.memref_slice %arg6[%dma_wait3A_224, %dma_wait3A_230] : memref<4x64xi32, #tpu.memory_space<vmem>> -> memref<1x64xi32, #tpu.memory_space<vmem>>
    %dma_wait3A_232 = tpu.memref_squeeze %dma_wait3A_231 : memref<1x64xi32, #tpu.memory_space<vmem>> -> memref<64xi32, #tpu.memory_space<vmem>>
    %dma_wait3A_233 = arith.constant 0 : i32
    %dma_wait3A_234 = arith.constant 0 : i32
    %dma_wait3A_235 = tpu.memref_slice %arg3[%dma_wait3A_233, %dma_wait3A_234] : memref<1000000x128xf32, #tpu.memory_space<hbm>> -> memref<1000000x128xf32, #tpu.memory_space<hbm>>
    tpu.wait_indirect_dma semaphore(%arg13 : memref<!tpu.dma_semaphore, #tpu.memory_space<semaphore_mem>>) src(%dma_wait3A_235 : memref<1000000x128xf32, #tpu.memory_space<hbm>>) dst(%dma_wait3A_229 : memref<64x128xf32, #tpu.memory_space<vmem>>)
    "tpu.region"() ({
      %run_scoped3A = tpu.sem_alloc : memref<!tpu.dma_semaphore, #tpu.memory_space<semaphore_mem>>
      %dma_start3A_236 = arith.constant 0 : i32
      %dma_start3A_237 = arith.constant 0 : i32
      %dma_start3A_238 = tpu.memref_slice %arg5[%dma_start3A_236, %mul3A_2, %dma_start3A_237] : memref<4x2048x128xf32, #tpu.memory_space<hbm>> -> memref<4x64x128xf32, #tpu.memory_space<hbm>>
      %dma_start3A_239 = arith.constant 0 : i32
      %dma_start3A_240 = arith.constant 0 : i32
      %dma_start3A_241 = tpu.memref_slice %arg5[%dma_start3A_239, %mul3A_2, %dma_start3A_240] : memref<4x2048x128xf32, #tpu.memory_space<hbm>> -> memref<4x64x128xf32, #tpu.memory_space<hbm>>
      tpu.enqueue_dma source(%arg7 : memref<4x64x128xf32, #tpu.memory_space<vmem>>) target(%dma_start3A_241 : memref<4x64x128xf32, #tpu.memory_space<hbm>>) target_semaphore(%run_scoped3A : memref<!tpu.dma_semaphore, #tpu.memory_space<semaphore_mem>>)
      %dma_wait3A_242 = arith.constant 0 : i32
      %dma_wait3A_243 = arith.constant 0 : i32
      %dma_wait3A_244 = tpu.memref_slice %arg5[%dma_wait3A_242, %mul3A_2, %dma_wait3A_243] : memref<4x2048x128xf32, #tpu.memory_space<hbm>> -> memref<4x64x128xf32, #tpu.memory_space<hbm>>
      %dma_wait3A_245 = arith.constant 0 : i32
      %dma_wait3A_246 = arith.constant 0 : i32
      %dma_wait3A_247 = tpu.memref_slice %arg5[%dma_wait3A_245, %mul3A_2, %dma_wait3A_246] : memref<4x2048x128xf32, #tpu.memory_space<hbm>> -> memref<4x64x128xf32, #tpu.memory_space<hbm>>
      tpu.wait_dma2 semaphore(%run_scoped3A : memref<!tpu.dma_semaphore, #tpu.memory_space<semaphore_mem>>) src(%arg7 : memref<4x64x128xf32, #tpu.memory_space<vmem>>) dst(%dma_wait3A_247 : memref<4x64x128xf32, #tpu.memory_space<hbm>>)
      tpu.yield
    }) : () -> ()
    return
  }
}

</mosaic_0001>

<sc_bundles>
// kernel: kernel.3.cloned.1.call-start
scs
__scs_entry_jumppad:
0x0: {  	(pc) =	sbr.rel $0x88, $3  }
0x1: {  	(tag) =	ssettag $0x0;
	lr =	simm.s32 $0x1  }
0x2: {  	[smem:$0x3F9E] =	sst lr;
	_ =	strace $0xD0000000  }
0x3: {  	_ = 	snop  }
0x4: {  	_ = 	snop  }
0x5: {  	_ = 	snop  }
0x6: {  	_ = 	snop  }
0x7: {  	_ = 	snop  }
__scs_overlays_trampoline_lowered:
0x8: {  	[smem:$0x3FAD] =	sst s0  }
0x9: {  	[smem:$0x3FAE] =	sst s1  }
0xa: {  	[smem:$0x3FAF] =	sst s2  }
0xb: {  	[smem:$0x3FB0] =	sst s3  }
0xc: {  	[smem:$0x3FB1] =	sst s4  }
0xd: {  	[smem:$0x3FB2] =	sst s5  }
0xe: {  	[smem:$0x3FB3] =	sst s6  }
0xf: {  	[smem:$0x3FB4] =	sst s7  }
0x10: {  	[smem:$0x3FB5] =	sst s8  }
0x11: {  	[smem:$0x3FB6] =	sst s9;
	s0 =	simm.s32 @!p0 $0x0  }
0x12: {  	s1 =	sld [smem:$0x3F9C];
	s0 =	simm.s32 @p0 $0x1  }
0x13: {  	[smem:$0x3FB7] =	sst s0;
	s0 =	simm.s32 @!p1 $0x0  }
0x14: {  	s2 =	sld [smem:$0x3F9B];
	s0 =	simm.s32 @p1 $0x1  }
0x15: {  	[smem:$0x3FB8] =	sst s0;
	s0 =	simm.s32 @!p2 $0x0  }
0x16: {  	s3 =	sld [smem:$0x3FDB];
	s0 =	simm.s32 @p2 $0x1  }
0x17: {  	s4 =	simm.s32 $0x1BF5;
	[smem:$0x3FBA] =	sst s0  }
0x18: {  	s0 =	sld [smem:$0x3F9D];
	_ =	swait.ge [sflag:s4], $0x0  }
0x19: {  	s7 =	sld [smem:$0x3F9E]  }
0x1a: {  	s8 =	sadd.s32 $0xFFFFE003, lr  }
0x1b: {  	s9 =	sadd.s32 $0xFFFFFEF7, lr;
	s5 =	simm.s32 $0xFFFFFFFF;
	p2 =	slt.u32 s8, $0xFFFFF086  }
0x1c: {  	p1 =	slt.u32 s9, $0xF7A;
	s5 =	simm.s32 @!p2 $0x0  }
0x1d: {  	s5 =	simm.s32 @p1 $0x1;
	p0 =	seq.s32 s7, s2  }
0x1e: {  	s7 =	smul.u32 @!p0 $0xF7A, s2;
	p2 =	seq.s32 @!p0 s5, $0x0  }
0x1f: {  	s9 =	smul.u32 $0xF7A, s1;
	s8 =	simm.s32 @!p0 $0x1BF5;
	p2 =	por !p2, p0  }
0x20: {  	[sflag:s8] =	ssyncset.s32 @!p0 $0xFFFFF086;
	s6 =	sadd.s32 @!p0 s3, s7;
	s7 =	simm.s32 @!p0 $0x108  }
0x21: {  	s3 =	sadd.s32 s3, s9;
	s6 =	sadd.s32 @!p0 $0x88, s6;
	s7 =	simm.s32 @p2 $0x1082  }
0x22: {  	[simem:s7], [sflag:s8] =	dma.local @!p0 [hbm:s6], $0xF7A  }
0x23: {  	s9 =	sor.u32 $0xD0000000, s2;
	s6 =	simm.s32 $0x108;
	_ =	swait.ge @!p0 [sflag:s8], $0x0  }
0x24: {  	s3 =	sadd.s32 $0x88, s3;
	s6 =	simm.s32 @!p1 $0x1082;
	[sflag:s4] =	ssyncset.s32 $0xFFFFF086  }
0x25: {  	[simem:s6], [sflag:s4] =	dma.local [hbm:s3], $0xF7A  }
0x26: {  	[smem:$0x3F9E] =	sst s1;
	(tag) =	ssettag s2;
	_ =	strace s9  }
0x27: {  	s1 =	sld [smem:$0x3FAE]  }
0x28: {  	s2 =	sld [smem:$0x3FAF]  }
0x29: {  	s4 =	sld [smem:$0x3FB1]  }
0x2a: {  	p0 =	seq.s32 s5, $0x0;
	s5 =	sld [smem:$0x3FB2]  }
0x2b: {  	s6 =	sld [smem:$0x3FB3]  }
0x2c: {  	s7 =	sld [smem:$0x3FB4]  }
0x2d: {  	s3 =	simm.s32 $0x108;
	s8 =	sld [smem:$0x3FB5]  }
0x2e: {  	s3 =	simm.s32 @!p0 $0x1082;
	s9 =	sld [smem:$0x3FB6]  }
0x2f: {  	lr =	sadd.s32 s0, s3;
	s0 =	sld [smem:$0x3FAD]  }
0x30: {  	s3 =	sld [smem:$0x3FB0]  }
0x31: {  	[smem:$0x3FB9] =	sst s10  }
0x32: {  	s10 =	sld [smem:$0x3FB7];
	_ =	sdelay $0x3  }
0x33: {  	p0 =	seq.s32 s10, $0x1;
	s10 =	sld [smem:$0x3FB9];
	_ =	sdelay $0x3  }
0x34: {  	[smem:$0x3FB9] =	sst s10  }
0x35: {  	s10 =	sld [smem:$0x3FB8];
	_ =	sdelay $0x3  }
0x36: {  	p1 =	seq.s32 s10, $0x1;
	s10 =	sld [smem:$0x3FB9];
	_ =	sdelay $0x3  }
0x37: {  	[smem:$0x3FB9] =	sst s10  }
0x38: {  	s10 =	sld [smem:$0x3FBA]  }
0x39: {  	_ = 	snop;
	(pc) =	sbr.ind lr, $3  }
0x3a: {  	_ = 	snop  }
0x3b: {  	_ = 	snop  }
0x3c: {  	p2 =	seq.s32 s10, $0x1;
	s10 =	sld [smem:$0x3FB9]  }
0x3d: {  	_ =	shalt  }
0x3e: {  	_ =	shalt  }
0x3f: {  	_ =	shalt  }
0x40: {  	_ =	shalt  }
0x41: {  	_ =	shalt  }
0x42: {  	_ =	shalt  }
0x43: {  	_ =	shalt  }
0x44: {  	_ =	shalt  }
0x45: {  	_ =	shalt  }
0x46: {  	_ =	shalt  }
0x47: {  	_ =	shalt  }
0x48: {  	_ =	shalt  }
0x49: {  	_ =	shalt  }
0x4a: {  	_ =	shalt  }
0x4b: {  	_ =	shalt  }
0x4c: {  	_ =	shalt  }
0x4d: {  	_ =	shalt  }
0x4e: {  	_ =	shalt  }
0x4f: {  	_ =	shalt  }
0x50: {  	_ =	shalt  }
0x51: {  	_ =	shalt  }
0x52: {  	_ =	shalt  }
0x53: {  	_ =	shalt  }
0x54: {  	_ =	shalt  }
0x55: {  	_ =	shalt  }
0x56: {  	_ =	shalt  }
0x57: {  	_ =	shalt  }
0x58: {  	_ =	shalt  }
0x59: {  	_ =	shalt  }
0x5a: {  	_ =	shalt  }
0x5b: {  	_ =	shalt  }
0x5c: {  	_ =	shalt  }
0x5d: {  	_ =	shalt  }
0x5e: {  	_ =	shalt  }
0x5f: {  	_ =	shalt  }
0x60: {  	_ =	shalt  }
0x61: {  	_ =	shalt  }
0x62: {  	_ =	shalt  }
0x63: {  	_ =	shalt  }
0x64: {  	_ =	shalt  }
0x65: {  	_ =	shalt  }
0x66: {  	_ =	shalt  }
0x67: {  	_ =	shalt  }
0x68: {  	_ =	shalt  }
0x69: {  	_ =	shalt  }
0x6a: {  	_ =	shalt  }
0x6b: {  	_ =	shalt  }
0x6c: {  	_ =	shalt  }
0x6d: {  	_ =	shalt  }
0x6e: {  	_ =	shalt  }
0x6f: {  	_ =	shalt  }
0x70: {  	_ =	shalt  }
0x71: {  	_ =	shalt  }
0x72: {  	_ =	shalt  }
0x73: {  	_ =	shalt  }
0x74: {  	_ =	shalt  }
0x75: {  	_ =	shalt  }
0x76: {  	_ =	shalt  }
0x77: {  	_ =	shalt  }
0x78: {  	_ =	shalt  }
0x79: {  	_ =	shalt  }
0x7a: {  	_ =	shalt  }
0x7b: {  	_ =	shalt  }
0x7c: {  	_ =	shalt  }
0x7d: {  	_ =	shalt  }
0x7e: {  	_ =	shalt  }
0x7f: {  	_ =	shalt  }
0x80: {  	_ =	shalt  }
0x81: {  	_ =	shalt  }
0x82: {  	_ =	shalt  }
0x83: {  	_ =	shalt  }
0x84: {  	_ =	shalt  }
0x85: {  	_ =	shalt  }
0x86: {  	_ =	shalt  }
0x87: {  	_ =	shalt  }
.Lfunc_end0:
.L_simem_size_0:
called_computation_lowered:
.L_overlay_start_0:
0x88: {  	s2 =	sld [smem:$0x3FD9]  }
0x89: {  	s3 =	sld [smem:$0x3FFE];
	_ =	sdelay $0x1  }
0x8a: {  	s1 =	srdreg.scid  }
0x8b: {  	s0 =	sand.u32 $0x1, s1  }
0x8c: {  	s18 =	sshll.u32 s0, $0xA;
	s2 =	sadd.s32 s3, s2  }
0x8d: {  	s2 =	sadd.s32 s2, s18  }
0x8e: {  	[smem:$0x3FC5] =	sst s2  }
0x8f: {  	_ = 	snop  }
0x90: {  	s2 =	sld [smem:$0x3FC9]  }
0x91: {  	s19 =	sld [smem:$0x3FC8]  }
0x92: {  	s4 =	sld [smem:$0x3FC7]  }
0x93: {  	s5 =	sld [smem:$0x3FD0];
	(tm) =	ssettm $0x1  }
0x94: {  	s6 =	sld [smem:$0x3FFB];
	_ =	sdelay $0x3  }
0x95: {  	_ =	strace s6  }
0x96: {  	s6 =	sld [smem:$0x3FFC];
	_ =	sdelay $0x3  }
0x97: {  	_ =	strace s6  }
0x98: {  	s6 =	sld [smem:$0x3FFD];
	_ =	sdelay $0x3  }
0x99: {  	_ =	strace s6  }
0x9a: {  	_ =	strace $0x8FFFFFFF  }
0x9b: {  	s20 =	sld [smem:$0x3FDB];
	_ =	sdelay $0x1  }
0x9c: {  	s7 =	simm.s32 $_scs_section_size  }
0x9d: {  	s8 =	simm.s32 $_size__tile_overlayer_lowered;
	s9 =	simm.s32 $_tile_overlayer_lowered  }
0x9e: {  	s23 =	simm.s32 $0x1BFF;
	s22 =	sshll.u32 s9, $0x1;
	s6 =	sadd.s32 s7, s20  }
0x9f: {  	s10 =	simm.s32 $0x0;
	s21 =	sshll.u32 s8, $0x1;
	s8 =	sadd.s32 s22, s6  }
0xa0: {  	[timem:s10], [sflag:s23] =	dma.local [hbm:s8], s21  }
0xa1: {  	_ =	swait.ge [sflag:s23], s21  }
0xa2: {  	s7 =	ssub.s32 $0x0, s21;
	[sflag:s23] =	ssyncset.done $0x0  }
0xa3: {  	[sflag:s23] =	ssyncadd.s32 s7;
	_ =	sdelay $0x1  }
0xa4: {  	s24 =	simm.s32 $0x1B8B  }
0xa5: {  	_ =	swait.ge [sflag:s24], $0x1  }
0xa6: {  	[sflag:s24] =	ssyncset.done $0x0  }
0xa7: {  	s25 =	simm.s32 $0x1B8E;
	[sflag:s24] =	ssyncadd.s32 $0xFFFFFFFF  }
0xa8: {  	s26 =	simm.s32 $execute0_lowered;
	[smem:$0x3FD2] =	sst s25  }
0xa9: {  	s7 =	sshll.u32 s26, $0x1;
	_ =	strace $0x80000046;
	[dreg:$0x1] =	wrdreg $0xFFFFFFFF  }
0xaa: {  	s28 =	simm.s32 $_size_execute0_lowered;
	s6 =	sadd.s32 s6, s7;
	[dreg:$0x0] =	wrdreg $0x0  }
0xab: {  	s7 =	sshll.u32 s28, $0x1;
	[dreg:$0x2] =	wrdreg s6  }
0xac: {  	[dreg:$0x3] =	wrdreg s7  }
0xad: {  	[dreg:$0x4] =	wrdreg $0xC0  }
0xae: {  	_ =	task [dreg:s10], $0x5FFFF  }
0xaf: {  	[dreg:$0x1] =	wrdreg $0xFFFFFFFF  }
0xb0: {  	[dreg:$0x0] =	wrdreg $0x60  }
0xb1: {  	[dreg:$0x2] =	wrdreg s2  }
0xb2: {  	[dreg:$0x3] =	wrdreg s19  }
0xb3: {  	[dreg:$0x4] =	wrdreg s4  }
0xb4: {  	[dreg:$0x5] =	wrdreg s5  }
0xb5: {  	[dreg:$0x6] =	wrdreg $0x9  }
0xb6: {  	_ =	task.clear_ibuf [dreg:s10], $0x7FFFF;
	_ =	strace $0x90000046  }
0xb7: {  	s29 =	simm.s32 $0x9;
	_ =	strace $0x80000048  }
0xb8: {  	_ =	swait.ge [sflag:s29], $0x1  }
0xb9: {  	[sflag:s29] =	ssyncadd.s32 $0xFFFFFFFF  }
0xba: {  	_ =	strace $0x90000048  }
0xbb: {  	_ =	sfence  }
0xbc: {  	s30 =	sld [smem:$0x0];
	_ =	sdelay $0x2  }
0xbd: {  	s31 =	sshll.u32 s1, $0xD;
	s1 =	sshrl.u32 s1, $0x2  }
0xbe: {  	s3 =	sand.u32 $0x4000, s31;
	s1 =	sadd.s32 s1, s30  }
0xbf: {  	s0 =	sor.u32 s3, s0;
	s1 =	sshll.u32 s1, $0x11  }
0xc0: {  	s0 =	sor.u32 s1, s0  }
0xc1: {  	s0 =	sadd.s32 $0x8F2B, s0  }
0xc2: {  	[sflag:s0] =	ssyncadd.remote.s32 $0x1  }
0xc3: {  	_ =	sfence.sel $0xFFFF  }
0xc4: {  	[dreg:$0x0] =	wrdreg $0xFFFFFFFF;
	(pc) =	sbr.abs _section_cstart, $3  }
0xc5: {  	[dreg:$0x1] =	wrdreg $0xFFFFFFFF  }
0xc6: {  	_ =	task.clear_ibuf [dreg:s10], $0x2FFFF;
	_ =	strace $0x9FFFFFFF  }
0xc7: {  	(tm) =	ssettm $0x7FFFFFFF  }
tec
execute0_lowered:
.L_overlay_start_1:
0x0: {  	(tag) =	ssettag $0x1  }
0x1: {  	s2 =	rddreg [dreg:$0x0]  }
0x2: {  	s3 =	srdreg.scid;
	s1 =	rddreg [dreg:$0x1]  }
0x3: {  	s0 =	stileid.u32;
	s8 =	rddreg [dreg:$0x2]  }
0x4: {  	s9 =	rddreg [dreg:$0x3];
	s13 =	simm.s32 $0x200;
	s14 =	simm.s32 $0x2  }
0x5: {  	s15 =	simm.s32 $0x1;
	s16 =	simm.s32 $0x40;
	s17 =	simm.s32 $0x2200  }
0x6: {  	s18 =	simm.s32 $0x100;
	s19 =	simm.s32 $0x4200;
	s20 =	simm.s32 $0x6200  }
0x7: {  	s21 =	simm.s32 $0x3;
	s22 =	simm.s32 $0x4;
	s23 =	simm.s32 $0x5  }
0x8: {  	s24 =	simm.s32 $0x6;
	s25 =	simm.s32 $0x2000;
	s28 =	simm.s32 $0x7  }
0x9: {  	s29 =	simm.s32 $0x0;
	s4 =	sand.u32 $0x1, s3;
	s3 =	simm.s32 $0x0  }
0xa: {  	s26 =	sshll.u32 s0, $0x7;
	s5 =	sshll.u32 s4, $0x6;
	[smem:$0x7FF] =	sst s3  }
0xb: {  	s4 =	ssub.s32 $0x2, s4;
	s10 =	sor.u32 s5, s26;
	_ =	strace $0x80000047  }
0xc: {  	s11 =	sshrl.u32 s4, $0x1;
	s26 =	simm.s32 $0x40000;
	s6 =	sshll.u32 s10, $0x2  }
0xd: {  	s11 =	ssub.s32 s4, s11;
	s31 =	sshll.u32 s10, $0x4;
	s7 =	sand.u32 $0x1E00, s6  }
0xe: {  	s8 =	sadd.s32 s8, s31;
	s9 =	sadd.s32 s9, s31;
	s7 =	sor.u32 s5, s7  }
0xf: {  	s10 =	smax.u32 s11, $0x1;
	s5 =	sor.u32 s5, s6;
	s7 =	sshrl.u32 s7, $0x3  }
0x10: {  	s11 =	simm.s32 $0x80;
	s6 =	sshrl.u32 s5, $0x3;
	s4 =	sadd.s32 s2, s7  }
0x11: {  	s30 =	sor.u32 $0x20, s6;
	s12 =	sor.u32 $0x30, s6;
	s5 =	sadd.s32 $0x10, s4  }
0x12: {  	s6 =	sadd.s32 s2, s30;
	s7 =	sadd.s32 s2, s12;
	s12 =	simm.s32 $0x180  }
.LBB2_1:
0x13: {  	[tilespmem:s3], [sflag:$0x1] =	stream.linear.gather [hbm4b:s4+s3], $0x40, $0x38;
	[tilespmem:$0x8200] =	vst v63  }
0x14: {  	_ = 	snop  }
0x15: {  	[tilespmem:s11], [sflag:$0x1] =	stream.linear.gather [hbm4b:s5+s3], $0x40, $0x38;
	[tilespmem:$0x8200] =	vst v63  }
0x16: {  	_ = 	snop  }
0x17: {  	[tilespmem:s18], [sflag:$0x1] =	stream.linear.gather [hbm4b:s6+s3], $0x40, $0x38;
	[tilespmem:$0x8200] =	vst v63  }
0x18: {  	_ = 	snop  }
0x19: {  	[tilespmem:s12], [sflag:$0x1] =	stream.linear.gather [hbm4b:s7+s3], $0x40, $0x38;
	[tilespmem:$0x8200] =	vst v63  }
0x1a: {  	_ = 	snop  }
0x1b: {  	[tilespmem:s13], [sflag:$0x2] =	stream.linear.gather [hbm4b:s8+s3], $0x2000, $0x38;
	[tilespmem:$0x8200] =	vst v63  }
0x1c: {  	_ =	swait.ge [sflag:s14], $0x2000  }
0x1d: {  	[sflag:s14] =	ssyncset.done $0x0  }
0x1e: {  	s30 =	simm.s32 $0x40;
	[sflag:s14] =	ssyncadd.s32 $0xFFFFE000  }
0x1f: {  	v3 =	vld [tilespmem:s30+$0x230]  }
0x20: {  	v4 =	vld [tilespmem:s30+$0x1C0]  }
0x21: {  	v5 =	vld [tilespmem:s30+$0x1D0]  }
0x22: {  	v2 =	vld [tilespmem:s30+$0x1E0]  }
0x23: {  	v0 =	vld [tilespmem:s30+$0x1F0]  }
0x24: {  	v1 =	vld [tilespmem:s30+$0x200];
	[tilespmem:s30+$0x2230] =	vst v3  }
0x25: {  	[tilespmem:s30+$0x21C0] =	vst v4;
	v3 =	vld [tilespmem:s30+$0x210]  }
0x26: {  	s31 =	simm.s32 $0xC0;
	s2 =	simm.s32 $0x500;
	[tilespmem:s30+$0x21D0] =	vst v5;
	v4 =	vld [tilespmem:s30+$0x220]  }
.LBB2_2:
0x27: {  	p0 =	sne.s32 s2, $0x7F00;
	v5 =	vld [tilespmem:s31+$0x230];
	[tilespmem:s30+$0x21E0] =	vst v2  }
0x28: {  	v6 =	vld [tilespmem:s31+$0x1C0];
	[tilespmem:s30+$0x21F0] =	vst v0  }
0x29: {  	v7 =	vld [tilespmem:s31+$0x1D0];
	[tilespmem:s30+$0x2200] =	vst v1  }
.Ltmp0:
0x2a: {  	v2 =	vld [tilespmem:s31+$0x1E0];
	[tilespmem:s30+$0x2210] =	vst v3;
	(pc) =	sbr.rel @p0 .LBB2_2-.Ltmp0, $4  }
0x2b: {  	v0 =	vld [tilespmem:s31+$0x1F0];
	[tilespmem:s30+$0x2220] =	vst v4;
	s30 =	smov.u32 s31  }
0x2c: {  	v1 =	vld [tilespmem:s30+$0x200];
	[tilespmem:s30+$0x2230] =	vst v5  }
0x2d: {  	[tilespmem:s30+$0x21C0] =	vst v6;
	v3 =	vld [tilespmem:s30+$0x210]  }
0x2e: {  	s31 =	sshra.s32 s2, $0x2;
	s2 =	sadd.s32 $0x200, s2;
	[tilespmem:s30+$0x21D0] =	vst v7;
	v4 =	vld [tilespmem:s30+$0x220]  }
0x2f: {  	v5 =	vld [tilespmem:s31+$0x230];
	[tilespmem:s30+$0x21E0] =	vst v2  }
0x30: {  	v2 =	vld [tilespmem:s31+$0x1C0];
	[tilespmem:s30+$0x21F0] =	vst v0  }
0x31: {  	v0 =	vld [tilespmem:s31+$0x1D0];
	[tilespmem:s30+$0x2200] =	vst v1  }
0x32: {  	v1 =	vld [tilespmem:s31+$0x1E0];
	[tilespmem:s30+$0x2210] =	vst v3  }
0x33: {  	v3 =	vld [tilespmem:s31+$0x1F0];
	[tilespmem:s30+$0x2220] =	vst v4  }
0x34: {  	v4 =	vld [tilespmem:s31+$0x200];
	[tilespmem:s31+$0x2230] =	vst v5  }
0x35: {  	[tilespmem:s31+$0x21C0] =	vst v2;
	v2 =	vld [tilespmem:s31+$0x210]  }
0x36: {  	[tilespmem:s31+$0x21D0] =	vst v0;
	v0 =	vld [tilespmem:s31+$0x220]  }
0x37: {  	[tilespmem:s31+$0x21E0] =	vst v1  }
0x38: {  	[tilespmem:s31+$0x21F0] =	vst v3  }
0x39: {  	[tilespmem:s31+$0x2200] =	vst v4  }
0x3a: {  	[tilespmem:s31+$0x2210] =	vst v2  }
0x3b: {  	[tilespmem:s31+$0x2220] =	vst v0  }
0x3c: {  	_ =	swait.ge [sflag:s15], $0x40  }
0x3d: {  	[sflag:s15] =	ssyncset.done $0x0  }
0x3e: {  	[sflag:s15] =	ssyncadd.s32 $0xFFFFFFC0  }
0x3f: {  	_ =	swait.ge [sflag:s15], $0x40  }
0x40: {  	[sflag:s15] =	ssyncset.done $0x0  }
0x41: {  	[sflag:s15] =	ssyncadd.s32 $0xFFFFFFC0  }
0x42: {  	_ =	swait.ge [sflag:s15], $0x40  }
0x43: {  	[sflag:s15] =	ssyncset.done $0x0  }
0x44: {  	[sflag:s15] =	ssyncadd.s32 $0xFFFFFFC0  }
0x45: {  	_ =	swait.ge [sflag:s15], $0x40  }
0x46: {  	[sflag:s15] =	ssyncset.done $0x0  }
0x47: {  	s2 =	simm.s32 $0x0;
	s30 =	simm.s32 $0x0;
	[sflag:s15] =	ssyncadd.s32 $0xFFFFFFC0  }
0x48: {  	[tilespmem:s13], [sflag:$0x3] =	stream.indirect.gather.add.f32 [hbm:s1], $0x80, s2, s16, $0xb8;
	[tilespmem:$0x8200] =	vst v63  }
0x49: {  	v3 =	vld [tilespmem:s30+$0x2270]  }
0x4a: {  	v4 =	vld [tilespmem:s30+$0x2200]  }
0x4b: {  	v5 =	vld [tilespmem:s30+$0x2210]  }
0x4c: {  	v2 =	vld [tilespmem:s30+$0x2220]  }
0x4d: {  	v0 =	vld [tilespmem:s30+$0x2230]  }
0x4e: {  	v1 =	vld [tilespmem:s30+$0x2240];
	[tilespmem:s30+$0x4270] =	vst v3  }
0x4f: {  	[tilespmem:s30+$0x4200] =	vst v4;
	v3 =	vld [tilespmem:s30+$0x2250]  }
0x50: {  	s31 =	simm.s32 $0x80;
	s2 =	simm.s32 $0x400;
	[tilespmem:s30+$0x4210] =	vst v5;
	v4 =	vld [tilespmem:s30+$0x2260]  }
.LBB2_4:
0x51: {  	p0 =	sne.s32 s2, $0x7E00;
	v5 =	vld [tilespmem:s31+$0x2270];
	[tilespmem:s30+$0x4220] =	vst v2  }
0x52: {  	v6 =	vld [tilespmem:s31+$0x2200];
	[tilespmem:s30+$0x4230] =	vst v0  }
0x53: {  	v7 =	vld [tilespmem:s31+$0x2210];
	[tilespmem:s30+$0x4240] =	vst v1  }
.Ltmp1:
0x54: {  	v2 =	vld [tilespmem:s31+$0x2220];
	[tilespmem:s30+$0x4250] =	vst v3;
	(pc) =	sbr.rel @p0 .LBB2_4-.Ltmp1, $4  }
0x55: {  	v0 =	vld [tilespmem:s31+$0x2230];
	[tilespmem:s30+$0x4260] =	vst v4;
	s30 =	smov.u32 s31  }
0x56: {  	v1 =	vld [tilespmem:s30+$0x2240];
	[tilespmem:s30+$0x4270] =	vst v5  }
0x57: {  	[tilespmem:s30+$0x4200] =	vst v6;
	v3 =	vld [tilespmem:s30+$0x2250]  }
0x58: {  	s31 =	sshra.s32 s2, $0x2;
	s2 =	sadd.s32 $0x200, s2;
	[tilespmem:s30+$0x4210] =	vst v7;
	v4 =	vld [tilespmem:s30+$0x2260]  }
0x59: {  	v5 =	vld [tilespmem:s31+$0x2270];
	[tilespmem:s30+$0x4220] =	vst v2  }
0x5a: {  	v2 =	vld [tilespmem:s31+$0x2200];
	[tilespmem:s30+$0x4230] =	vst v0  }
0x5b: {  	v0 =	vld [tilespmem:s31+$0x2210];
	[tilespmem:s30+$0x4240] =	vst v1  }
0x5c: {  	v1 =	vld [tilespmem:s31+$0x2220];
	[tilespmem:s30+$0x4250] =	vst v3  }
0x5d: {  	v3 =	vld [tilespmem:s31+$0x2230];
	[tilespmem:s30+$0x4260] =	vst v4  }
0x5e: {  	v4 =	vld [tilespmem:s31+$0x2240];
	[tilespmem:s31+$0x4270] =	vst v5  }
0x5f: {  	[tilespmem:s31+$0x4200] =	vst v2;
	v2 =	vld [tilespmem:s31+$0x2250]  }
0x60: {  	[tilespmem:s31+$0x4210] =	vst v0;
	v0 =	vld [tilespmem:s31+$0x2260]  }
0x61: {  	[tilespmem:s31+$0x4220] =	vst v1  }
0x62: {  	[tilespmem:s31+$0x4230] =	vst v3  }
0x63: {  	[tilespmem:s31+$0x4240] =	vst v4  }
0x64: {  	[tilespmem:s31+$0x4250] =	vst v2  }
0x65: {  	s30 =	simm.s32 $0x0;
	[tilespmem:s31+$0x4260] =	vst v0  }
0x66: {  	[tilespmem:s17], [sflag:$0x4] =	stream.indirect.gather.add.f32 [hbm:s1], $0x80, s11, s16, $0xb8;
	[tilespmem:$0x8200] =	vst v63  }
0x67: {  	v3 =	vld [tilespmem:s30+$0x4270]  }
0x68: {  	v4 =	vld [tilespmem:s30+$0x4200]  }
0x69: {  	v5 =	vld [tilespmem:s30+$0x4210]  }
0x6a: {  	v2 =	vld [tilespmem:s30+$0x4220]  }
0x6b: {  	v0 =	vld [tilespmem:s30+$0x4230]  }
0x6c: {  	v1 =	vld [tilespmem:s30+$0x4240];
	[tilespmem:s30+$0x6270] =	vst v3  }
0x6d: {  	[tilespmem:s30+$0x6200] =	vst v4;
	v3 =	vld [tilespmem:s30+$0x4250]  }
0x6e: {  	s2 =	simm.s32 $0x400;
	s31 =	simm.s32 $0x80;
	[tilespmem:s30+$0x6210] =	vst v5;
	v4 =	vld [tilespmem:s30+$0x4260]  }
.LBB2_6:
0x6f: {  	p0 =	sne.s32 s2, $0x7E00;
	v5 =	vld [tilespmem:s31+$0x4270];
	[tilespmem:s30+$0x6220] =	vst v2  }
0x70: {  	v6 =	vld [tilespmem:s31+$0x4200];
	[tilespmem:s30+$0x6230] =	vst v0  }
0x71: {  	v7 =	vld [tilespmem:s31+$0x4210];
	[tilespmem:s30+$0x6240] =	vst v1  }
.Ltmp2:
0x72: {  	v2 =	vld [tilespmem:s31+$0x4220];
	[tilespmem:s30+$0x6250] =	vst v3;
	(pc) =	sbr.rel @p0 .LBB2_6-.Ltmp2, $4  }
0x73: {  	v0 =	vld [tilespmem:s31+$0x4230];
	[tilespmem:s30+$0x6260] =	vst v4;
	s30 =	smov.u32 s31  }
0x74: {  	v1 =	vld [tilespmem:s30+$0x4240];
	[tilespmem:s30+$0x6270] =	vst v5  }
0x75: {  	[tilespmem:s30+$0x6200] =	vst v6;
	v3 =	vld [tilespmem:s30+$0x4250]  }
0x76: {  	s31 =	sshra.s32 s2, $0x2;
	s2 =	sadd.s32 $0x200, s2;
	[tilespmem:s30+$0x6210] =	vst v7;
	v4 =	vld [tilespmem:s30+$0x4260]  }
0x77: {  	v5 =	vld [tilespmem:s31+$0x4270];
	[tilespmem:s30+$0x6220] =	vst v2  }
0x78: {  	v2 =	vld [tilespmem:s31+$0x4200];
	[tilespmem:s30+$0x6230] =	vst v0  }
0x79: {  	v0 =	vld [tilespmem:s31+$0x4210];
	[tilespmem:s30+$0x6240] =	vst v1  }
0x7a: {  	v1 =	vld [tilespmem:s31+$0x4220];
	[tilespmem:s30+$0x6250] =	vst v3  }
0x7b: {  	v3 =	vld [tilespmem:s31+$0x4230];
	[tilespmem:s30+$0x6260] =	vst v4  }
0x7c: {  	v4 =	vld [tilespmem:s31+$0x4240];
	[tilespmem:s31+$0x6270] =	vst v5  }
0x7d: {  	v62 =	vld [tilespmem:s31+$0x4250];
	[tilespmem:s31+$0x6200] =	vst v2  }
0x7e: {  	v63 =	vld [tilespmem:s31+$0x4260];
	[tilespmem:s31+$0x6210] =	vst v0  }
0x7f: {  	[tilespmem:s31+$0x6220] =	vst v1  }
0x80: {  	[tilespmem:s31+$0x6230] =	vst v3  }
0x81: {  	[tilespmem:s31+$0x6240] =	vst v4  }
0x82: {  	[tilespmem:s31+$0x6250] =	vst v62  }
0x83: {  	[tilespmem:s31+$0x6260] =	vst v63  }
0x84: {  	[tilespmem:s19], [sflag:$0x5] =	stream.indirect.gather.add.f32 [hbm:s1], $0x80, s18, s16, $0xb8;
	[tilespmem:$0x8200] =	vst v63  }
0x85: {  	_ = 	snop  }
0x86: {  	[tilespmem:s20], [sflag:$0x6] =	stream.indirect.gather.add.f32 [hbm:s1], $0x80, s12, s16, $0xb8;
	[tilespmem:$0x8200] =	vst v63  }
0x87: {  	_ =	swait.ge [sflag:s21], $0x2000  }
0x88: {  	[sflag:s21] =	ssyncset.done $0x0  }
0x89: {  	[sflag:s21] =	ssyncadd.s32 $0xFFFFE000  }
0x8a: {  	_ =	swait.ge [sflag:s22], $0x2000  }
0x8b: {  	[sflag:s22] =	ssyncset.done $0x0  }
0x8c: {  	[sflag:s22] =	ssyncadd.s32 $0xFFFFE000  }
0x8d: {  	_ =	swait.ge [sflag:s23], $0x2000  }
0x8e: {  	[sflag:s23] =	ssyncset.done $0x0  }
0x8f: {  	[sflag:s23] =	ssyncadd.s32 $0xFFFFE000  }
0x90: {  	s29 =	sadd.s32 $0x1, s29;
	_ =	swait.ge [sflag:s24], $0x2000  }
0x91: {  	p0 =	sne.s32 s29, s10;
	[sflag:s24] =	ssyncset.done $0x0  }
.Ltmp3:
0x92: {  	[sflag:s24] =	ssyncadd.s32 $0xFFFFE000;
	(pc) =	sbr.rel @p0 .LBB2_1-.Ltmp3, $4  }
0x93: {  	[hbm4b:s9+s25] =	stream.strided.scatter [tilespmem:s13], [sflag:$0x7], $0x8000, s26, s25, $0x38;
	[tilespmem:$0x8200] =	vst v63  }
0x94: {  	_ =	swait.ge [sflag:s28], $0x8000  }
0x95: {  	[sflag:s28] =	ssyncset.done $0x0  }
0x96: {  	[sflag:s28] =	ssyncadd.s32 $0xFFFF8000  }
0x97: {  	_ =	sfence.sel $0x180000  }
0x98: {  	[bflag:$0x0] =	sbarrier.arrive $0xFFFF  }
0x99: {  	_ =	strace $0x90000047  }
0x9a: {  	[bflag:$0x2] =	sbarrier.arrive $0xFFFF  }
0x9b: {  	p0 =	sne.s32 s0, $0x0;
	s0 =	rddreg [dreg:$0x4]  }
0x9c: {  	s0 =	sadd.s32 @!p0 $0x100000, s0  }
0x9d: {  	[sflag:s0] =	ssyncadd.tile.s32 @!p0 $0x1;
	_ =	shalt  }
.Lfunc_end2:
_tile_overlayer_lowered:
.L_overlay_start_2:
0x9e: {  	(tag) =	ssettag $0x2  }
0x9f: {  	s0 =	rddreg [dreg:$0x0];
	s2 =	stileid.u32  }
0xa0: {  	s1 =	rddreg [dreg:$0x1];
	p0 =	sne.s32 s2, $0x0  }
0xa1: {  	s3 =	rddreg [dreg:$0x2];
	[bflag:$0x3] =	sbarrier.arrive $0xFFFF;
	s2 =	simm.s32 @!p0 $0x1C07  }
0xa2: {  	[timem:s3], [sflag:s2] =	dma.local @!p0 [hbm:s0], s1  }
0xa3: {  	s0 =	simm.s32 @!p0 $0x7  }
0xa4: {  	_ =	swait.ge @!p0 [sflag:s0], s1  }
0xa5: {  	s1 =	ssub.s32 @!p0 $0x0, s1;
	[sflag:s0] =	ssyncset.done @!p0 $0x0  }
0xa6: {  	[sflag:s0] =	ssyncadd.s32 @!p0 s1  }
0xa7: {  	[bflag:$0x3] =	sbarrier.arrive $0xFFFF  }
0xa8: {  	_ =	shalt  }

</sc_bundles>
